<compile_context>
chip_gen: v7x
topology: tpu7x:2x2x1
jax: 0.10.2.dev20260603
libtpu: 0.0.44.dev20260713+nightly
codegen_flags: <defaults>
</compile_context>

<pallas_src>
import jax
import jax.numpy as jnp
from jax import lax
from jax.experimental import pallas as pl
from jax.experimental.pallas import tpu as pltpu
from jax.experimental.pallas import tpu_sc as plsc

N = 10000
E = 320000
D = 128
NCLS = 47

NC = 2
NS = 16
NW = NC * NS
E_PER_W = E // NW
CH = 80
NCHUNK = E_PER_W // CH
NP = 10240
RPW = NP // NS
NRB = RPW // CH
L = 16

_sc_mesh = plsc.VectorSubcoreMesh(
    core_axis_name="c", subcore_axis_name="s", num_cores=NC, num_subcores=NS)


def _seg_body_deg(src_hbm, dst_hbm, feat_hbm, zrow_hbm, zdeg_hbm,
                  acc_out, deg_out, src_v, dst_v, rows_v, deg_v, acc_sh,
                  sem):
  c = lax.axis_index("c")
  s = lax.axis_index("s")
  base = (c * NS + s) * E_PER_W
  r0 = s * RPW

  pltpu.sync_copy(zrow_hbm, rows_v)
  pltpu.sync_copy(zdeg_hbm, deg_v)
  for j in range(NRB):
    pltpu.sync_copy(rows_v, acc_sh.at[pl.ds(r0 + j * CH, CH)])
  plsc.subcore_barrier()

  one16 = jnp.full((L,), 1.0, jnp.float32)

  def step(i, carry):
    off = base + i * CH
    pltpu.sync_copy(src_hbm.at[pl.ds(off, CH)], src_v)
    pltpu.sync_copy(dst_hbm.at[pl.ds(off, CH)], dst_v)
    pltpu.async_copy(feat_hbm.at[src_v], rows_v, sem).wait()
    pltpu.sync_copy(rows_v, acc_sh.at[dst_v], add=True)
    for k in range(CH // L):
      idx = dst_v[pl.ds(k * L, L)]
      plsc.addupdate_scatter(deg_v, [idx], one16)
    return carry

  lax.fori_loop(0, NCHUNK, step, 0)
  plsc.subcore_barrier()

  for j in range(NRB):
    b0 = r0 + j * CH
    pltpu.sync_copy(acc_sh.at[pl.ds(b0, CH)], rows_v)
    pltpu.sync_copy(rows_v, acc_out.at[c, pl.ds(b0, CH)])
  pltpu.sync_copy(deg_v, deg_out.at[c, s])


def _seg_body_plain(src_hbm, dst_hbm, feat_hbm, zrow_hbm, acc_out, src_v,
                    dst_v, rows_v, acc_sh, sem):
  c = lax.axis_index("c")
  s = lax.axis_index("s")
  base = (c * NS + s) * E_PER_W
  r0 = s * RPW

  pltpu.sync_copy(zrow_hbm, rows_v)
  for j in range(NRB):
    pltpu.sync_copy(rows_v, acc_sh.at[pl.ds(r0 + j * CH, CH)])
  plsc.subcore_barrier()

  def step(i, carry):
    off = base + i * CH
    pltpu.sync_copy(src_hbm.at[pl.ds(off, CH)], src_v)
    pltpu.sync_copy(dst_hbm.at[pl.ds(off, CH)], dst_v)
    pltpu.async_copy(feat_hbm.at[src_v], rows_v, sem).wait()
    pltpu.sync_copy(rows_v, acc_sh.at[dst_v], add=True)
    return carry

  lax.fori_loop(0, NCHUNK, step, 0)
  plsc.subcore_barrier()

  for j in range(NRB):
    b0 = r0 + j * CH
    pltpu.sync_copy(acc_sh.at[pl.ds(b0, CH)], rows_v)
    pltpu.sync_copy(rows_v, acc_out.at[c, pl.ds(b0, CH)])


_seg_sum_deg = pl.kernel(
    _seg_body_deg,
    out_type=(jax.ShapeDtypeStruct((NC, NP, D), jnp.float32),
              jax.ShapeDtypeStruct((NC, NS, NP), jnp.float32)),
    mesh=_sc_mesh,
    scratch_types=[
        pltpu.VMEM((CH,), jnp.int32),
        pltpu.VMEM((CH,), jnp.int32),
        pltpu.VMEM((CH, D), jnp.float32),
        pltpu.VMEM((NP,), jnp.float32),
        pltpu.VMEM_SHARED((NP, D), jnp.float32),
        pltpu.SemaphoreType.DMA,
    ],
    compiler_params=pltpu.CompilerParams(needs_layout_passes=False),
    name="sc_seg_sum_deg",
)

_seg_sum_plain = pl.kernel(
    _seg_body_plain,
    out_type=jax.ShapeDtypeStruct((NC, NP, D), jnp.float32),
    mesh=_sc_mesh,
    scratch_types=[
        pltpu.VMEM((CH,), jnp.int32),
        pltpu.VMEM((CH,), jnp.int32),
        pltpu.VMEM((CH, D), jnp.float32),
        pltpu.VMEM_SHARED((NP, D), jnp.float32),
        pltpu.SemaphoreType.DMA,
    ],
    name="sc_seg_sum",
)


def _layer1_body(acc_ref, x_ref, deg_ref, w_ref, b_ref, o_ref):
  a = acc_ref[0] + acc_ref[1] + x_ref[...]
  deg = jnp.sum(deg_ref[...], axis=1, keepdims=True)
  z = a / (deg + 1.0)
  o_ref[...] = jnp.maximum(
      jnp.dot(z, w_ref[...], preferred_element_type=jnp.float32)
      + b_ref[...], 0.0)


def _layer2_body(acc_ref, h_ref, deg_ref, w2_ref, b2_ref, w3_ref, b3_ref,
                 emb_ref, out_ref):
  a = acc_ref[0] + acc_ref[1] + h_ref[...]
  deg = jnp.sum(deg_ref[...], axis=1, keepdims=True)
  z = a / (deg + 1.0)
  e = jnp.maximum(
      jnp.dot(z, w2_ref[...], preferred_element_type=jnp.float32)
      + b2_ref[...], 0.0)
  emb_ref[...] = e
  out_ref[...] = (
      jnp.dot(e, w3_ref[...], preferred_element_type=jnp.float32)
      + b3_ref[...])


BR = 1000


def _tc_layer1(acc, x, degT, w1, b1):
  grid = (N // BR,)
  return pl.pallas_call(
      _layer1_body,
      grid=grid,
      in_specs=[
          pl.BlockSpec((NC, BR, D), lambda i: (0, i, 0)),
          pl.BlockSpec((BR, D), lambda i: (i, 0)),
          pl.BlockSpec((BR, NW), lambda i: (i, 0)),
          pl.BlockSpec((D, D), lambda i: (0, 0)),
          pl.BlockSpec((1, D), lambda i: (0, 0)),
      ],
      out_specs=pl.BlockSpec((BR, D), lambda i: (i, 0)),
      out_shape=jax.ShapeDtypeStruct((N, D), jnp.float32),
      name="tc_sage_layer1",
  )(acc, x, degT, w1, b1)


def _tc_layer2(acc, h, degT, w2, b2, w3p, b3p):
  grid = (N // BR,)
  return pl.pallas_call(
      _layer2_body,
      grid=grid,
      in_specs=[
          pl.BlockSpec((NC, BR, D), lambda i: (0, i, 0)),
          pl.BlockSpec((BR, D), lambda i: (i, 0)),
          pl.BlockSpec((BR, NW), lambda i: (i, 0)),
          pl.BlockSpec((D, D), lambda i: (0, 0)),
          pl.BlockSpec((1, D), lambda i: (0, 0)),
          pl.BlockSpec((D, D), lambda i: (0, 0)),
          pl.BlockSpec((1, D), lambda i: (0, 0)),
      ],
      out_specs=[
          pl.BlockSpec((BR, D), lambda i: (i, 0)),
          pl.BlockSpec((BR, D), lambda i: (i, 0)),
      ],
      out_shape=[
          jax.ShapeDtypeStruct((N, D), jnp.float32),
          jax.ShapeDtypeStruct((N, D), jnp.float32),
      ],
      name="tc_sage_layer2",
  )(acc, h, degT, w2, b2, w3p, b3p)


def kernel(x, edge_index, W1, b1, W2, b2, W3, b3):
  src = edge_index[0].astype(jnp.int32)
  dst = edge_index[1].astype(jnp.int32)

  zrow = jnp.zeros((CH, D), jnp.float32)
  zdeg = jnp.zeros((NP,), jnp.float32)

  acc1, degp = _seg_sum_deg(src, dst, x, zrow, zdeg)
  degT = degp.reshape(NW, NP).T
  h1 = _tc_layer1(acc1, x, degT, W1, b1.reshape(1, D))

  acc2 = _seg_sum_plain(src, dst, h1, zrow)
  w3p = jnp.zeros((D, D), jnp.float32).at[:, :NCLS].set(W3)
  b3p = jnp.zeros((1, D), jnp.float32).at[0, :NCLS].set(b3)
  emb, outp = _tc_layer2(acc2, h1, degT, W2, b2.reshape(1, D), w3p, b3p)
  return (outp[:, :NCLS], emb)

# --- scband reference (transcript-rebuilt; emitter-appended) ---
"""Pipeline reference for scband-sage-12936441496236 (READ-ONLY COPY).

The authoritative reference and input builder live on the scoring server;
editing this copy changes nothing except your own understanding.
"""

import jax, jax.numpy as jnp
import numpy as np

N_NODES = 10000
N_EDGES = 320000
D_IN = 128
D_H = 128
N_CLS = 47


def setup_inputs(seed: int = 0) -> dict:
    key = jax.random.key(seed)
    ks = jax.random.split(key, 8)
    x = jax.random.normal(ks[0], (N_NODES, D_IN), dtype=jnp.float32)
    edge_index = jax.random.randint(ks[1], (2, N_EDGES), 0, N_NODES)
    W1 = jax.random.normal(ks[2], (D_IN, D_H), dtype=jnp.float32) * 0.05
    b1 = jnp.zeros((D_H,), dtype=jnp.float32)
    W2 = jax.random.normal(ks[3], (D_H, D_H), dtype=jnp.float32) * 0.05
    b2 = jnp.zeros((D_H,), dtype=jnp.float32)
    W3 = jax.random.normal(ks[4], (D_H, N_CLS), dtype=jnp.float32) * 0.05
    b3 = jnp.zeros((N_CLS,), dtype=jnp.float32)
    return {"x": x, "edge_index": edge_index, "W1": W1, "b1": b1,
            "W2": W2, "b2": b2, "W3": W3, "b3": b3}


def _sage_gcn(h, src, dst, W, b, num_nodes):
    # DGL SAGEConv with 'gcn' aggregator:
    # h_i <- fc((sum_{j in N(i)} h_j + h_i) / (deg_i + 1))
    msg = jnp.take(h, src, axis=0)                       # gather over src nodes
    agg = jax.ops.segment_sum(msg, dst, num_segments=num_nodes)  # scatter-add to dst
    deg = jax.ops.segment_sum(jnp.ones((src.shape[0], 1), h.dtype), dst,
                              num_segments=num_nodes)
    h_new = (agg + h) / (deg + 1.0)
    return h_new @ W + b


def reference(x, edge_index, W1, b1, W2, b2, W3, b3):
    num_nodes = x.shape[0]
    src = edge_index[0]
    dst = edge_index[1]
    # layer 0: SAGEConv(gcn) -> relu -> dropout(identity at inference)
    h = _sage_gcn(x, src, dst, W1, b1, num_nodes)
    emb = jax.nn.relu(h)
    h = emb
    # layer 1: SAGEConv(gcn) -> relu -> dropout(identity at inference)
    h = _sage_gcn(h, src, dst, W2, b2, num_nodes)
    emb = jax.nn.relu(h)
    h = emb
    # final linear classifier
    h = h @ W3 + b3
    return (h, emb)

if __name__ == "__main__":
    import jax
    _d = setup_inputs()
    print(jax.jit(kernel)(*tuple(_d.values())))

</pallas_src>

<mosaic_0001>
#map = affine_map<(d0, d1) -> (0)>
#map1 = affine_map<(d0, d1) -> (0, 0)>
#map2 = affine_map<(d0, d1) -> (0, 0, 0)>
module attributes {stable_mosaic.version = 14 : i64} {
  func.func @sc_seg_sum(%arg0: i32, %arg1: i32, %arg2: memref<320000xi32, #tpu.memory_space<hbm>>, %arg3: memref<320000xi32, #tpu.memory_space<hbm>>, %arg4: memref<10000x128xf32, #tpu.memory_space<hbm>>, %arg5: memref<80x128xf32, #tpu.memory_space<hbm>>, %arg6: memref<2x10240x128xf32, #tpu.memory_space<hbm>>, %arg7: memref<80xi32, #tpu.memory_space<vmem>>, %arg8: memref<80xi32, #tpu.memory_space<vmem>>, %arg9: memref<80x128xf32, #tpu.memory_space<vmem>>, %arg10: memref<10240x128xf32, #tpu.memory_space<vmem_shared>>, %arg11: memref<!tpu.dma_semaphore, #tpu.memory_space<semaphore_mem>>) attributes {dimension_semantics = [#tpu.dimension_semantics<core_parallel>, #tpu.dimension_semantics<subcore_parallel>], iteration_bounds = array<i64: 2, 16>, scalar_prefetch = 0 : i64, scratch_operands = 5 : i64, tpu.core_type = #tpu.core_type<sc_vector_subcore>, window_params = [{transform_indices = #map}, {transform_indices = #map}, {transform_indices = #map1}, {transform_indices = #map1}, {transform_indices = #map2}]} {
    %mul3A = arith.constant 16 : i32
    %mul3A_0 = arith.muli %arg0, %mul3A : i32
    %add3A = arith.addi %mul3A_0, %arg1 : i32
    %mul3A_1 = arith.constant 10000 : i32
    %mul3A_2 = arith.muli %add3A, %mul3A_1 : i32
    %mul3A_3 = arith.constant 640 : i32
    %mul3A_4 = arith.muli %arg1, %mul3A_3 : i32
    "tpu.region"() ({
      %run_scoped3A = tpu.sem_alloc : memref<!tpu.dma_semaphore, #tpu.memory_space<semaphore_mem>>
      tpu.enqueue_dma source(%arg5 : memref<80x128xf32, #tpu.memory_space<hbm>>) target(%arg9 : memref<80x128xf32, #tpu.memory_space<vmem>>) target_semaphore(%run_scoped3A : memref<!tpu.dma_semaphore, #tpu.memory_space<semaphore_mem>>)
      tpu.wait_dma2 semaphore(%run_scoped3A : memref<!tpu.dma_semaphore, #tpu.memory_space<semaphore_mem>>) src(%arg5 : memref<80x128xf32, #tpu.memory_space<hbm>>) dst(%arg9 : memref<80x128xf32, #tpu.memory_space<vmem>>)
      tpu.yield
    }) : () -> ()
    %add3A_5 = arith.constant 0 : i32
    %add3A_6 = arith.addi %mul3A_4, %add3A_5 : i32
    "tpu.region"() ({
      %run_scoped3A = tpu.sem_alloc : memref<!tpu.dma_semaphore, #tpu.memory_space<semaphore_mem>>
      %dma_start3A = arith.constant 0 : i32
      %dma_start3A_43 = tpu.memref_slice %arg10[%add3A_6, %dma_start3A] : memref<10240x128xf32, #tpu.memory_space<vmem_shared>> -> memref<80x128xf32, #tpu.memory_space<vmem_shared>>
      %dma_start3A_44 = arith.constant 0 : i32
      %dma_start3A_45 = tpu.memref_slice %arg10[%add3A_6, %dma_start3A_44] : memref<10240x128xf32, #tpu.memory_space<vmem_shared>> -> memref<80x128xf32, #tpu.memory_space<vmem_shared>>
      tpu.enqueue_dma source(%arg9 : memref<80x128xf32, #tpu.memory_space<vmem>>) target(%dma_start3A_45 : memref<80x128xf32, #tpu.memory_space<vmem_shared>>) target_semaphore(%run_scoped3A : memref<!tpu.dma_semaphore, #tpu.memory_space<semaphore_mem>>)
      %dma_wait3A = arith.constant 0 : i32
      %dma_wait3A_46 = tpu.memref_slice %arg10[%add3A_6, %dma_wait3A] : memref<10240x128xf32, #tpu.memory_space<vmem_shared>> -> memref<80x128xf32, #tpu.memory_space<vmem_shared>>
      %dma_wait3A_47 = arith.constant 0 : i32
      %dma_wait3A_48 = tpu.memref_slice %arg10[%add3A_6, %dma_wait3A_47] : memref<10240x128xf32, #tpu.memory_space<vmem_shared>> -> memref<80x128xf32, #tpu.memory_space<vmem_shared>>
      tpu.wait_dma2 semaphore(%run_scoped3A : memref<!tpu.dma_semaphore, #tpu.memory_space<semaphore_mem>>) src(%arg9 : memref<80x128xf32, #tpu.memory_space<vmem>>) dst(%dma_wait3A_48 : memref<80x128xf32, #tpu.memory_space<vmem_shared>>)
      tpu.yield
    }) : () -> ()
    %add3A_7 = arith.constant 80 : i32
    %add3A_8 = arith.addi %mul3A_4, %add3A_7 : i32
    "tpu.region"() ({
      %run_scoped3A = tpu.sem_alloc : memref<!tpu.dma_semaphore, #tpu.memory_space<semaphore_mem>>
      %dma_start3A = arith.constant 0 : i32
      %dma_start3A_43 = tpu.memref_slice %arg10[%add3A_8, %dma_start3A] : memref<10240x128xf32, #tpu.memory_space<vmem_shared>> -> memref<80x128xf32, #tpu.memory_space<vmem_shared>>
      %dma_start3A_44 = arith.constant 0 : i32
      %dma_start3A_45 = tpu.memref_slice %arg10[%add3A_8, %dma_start3A_44] : memref<10240x128xf32, #tpu.memory_space<vmem_shared>> -> memref<80x128xf32, #tpu.memory_space<vmem_shared>>
      tpu.enqueue_dma source(%arg9 : memref<80x128xf32, #tpu.memory_space<vmem>>) target(%dma_start3A_45 : memref<80x128xf32, #tpu.memory_space<vmem_shared>>) target_semaphore(%run_scoped3A : memref<!tpu.dma_semaphore, #tpu.memory_space<semaphore_mem>>)
      %dma_wait3A = arith.constant 0 : i32
      %dma_wait3A_46 = tpu.memref_slice %arg10[%add3A_8, %dma_wait3A] : memref<10240x128xf32, #tpu.memory_space<vmem_shared>> -> memref<80x128xf32, #tpu.memory_space<vmem_shared>>
      %dma_wait3A_47 = arith.constant 0 : i32
      %dma_wait3A_48 = tpu.memref_slice %arg10[%add3A_8, %dma_wait3A_47] : memref<10240x128xf32, #tpu.memory_space<vmem_shared>> -> memref<80x128xf32, #tpu.memory_space<vmem_shared>>
      tpu.wait_dma2 semaphore(%run_scoped3A : memref<!tpu.dma_semaphore, #tpu.memory_space<semaphore_mem>>) src(%arg9 : memref<80x128xf32, #tpu.memory_space<vmem>>) dst(%dma_wait3A_48 : memref<80x128xf32, #tpu.memory_space<vmem_shared>>)
      tpu.yield
    }) : () -> ()
    %add3A_9 = arith.constant 160 : i32
    %add3A_10 = arith.addi %mul3A_4, %add3A_9 : i32
    "tpu.region"() ({
      %run_scoped3A = tpu.sem_alloc : memref<!tpu.dma_semaphore, #tpu.memory_space<semaphore_mem>>
      %dma_start3A = arith.constant 0 : i32
      %dma_start3A_43 = tpu.memref_slice %arg10[%add3A_10, %dma_start3A] : memref<10240x128xf32, #tpu.memory_space<vmem_shared>> -> memref<80x128xf32, #tpu.memory_space<vmem_shared>>
      %dma_start3A_44 = arith.constant 0 : i32
      %dma_start3A_45 = tpu.memref_slice %arg10[%add3A_10, %dma_start3A_44] : memref<10240x128xf32, #tpu.memory_space<vmem_shared>> -> memref<80x128xf32, #tpu.memory_space<vmem_shared>>
      tpu.enqueue_dma source(%arg9 : memref<80x128xf32, #tpu.memory_space<vmem>>) target(%dma_start3A_45 : memref<80x128xf32, #tpu.memory_space<vmem_shared>>) target_semaphore(%run_scoped3A : memref<!tpu.dma_semaphore, #tpu.memory_space<semaphore_mem>>)
      %dma_wait3A = arith.constant 0 : i32
      %dma_wait3A_46 = tpu.memref_slice %arg10[%add3A_10, %dma_wait3A] : memref<10240x128xf32, #tpu.memory_space<vmem_shared>> -> memref<80x128xf32, #tpu.memory_space<vmem_shared>>
      %dma_wait3A_47 = arith.constant 0 : i32
      %dma_wait3A_48 = tpu.memref_slice %arg10[%add3A_10, %dma_wait3A_47] : memref<10240x128xf32, #tpu.memory_space<vmem_shared>> -> memref<80x128xf32, #tpu.memory_space<vmem_shared>>
      tpu.wait_dma2 semaphore(%run_scoped3A : memref<!tpu.dma_semaphore, #tpu.memory_space<semaphore_mem>>) src(%arg9 : memref<80x128xf32, #tpu.memory_space<vmem>>) dst(%dma_wait3A_48 : memref<80x128xf32, #tpu.memory_space<vmem_shared>>)
      tpu.yield
    }) : () -> ()
    %add3A_11 = arith.constant 240 : i32
    %add3A_12 = arith.addi %mul3A_4, %add3A_11 : i32
    "tpu.region"() ({
      %run_scoped3A = tpu.sem_alloc : memref<!tpu.dma_semaphore, #tpu.memory_space<semaphore_mem>>
      %dma_start3A = arith.constant 0 : i32
      %dma_start3A_43 = tpu.memref_slice %arg10[%add3A_12, %dma_start3A] : memref<10240x128xf32, #tpu.memory_space<vmem_shared>> -> memref<80x128xf32, #tpu.memory_space<vmem_shared>>
      %dma_start3A_44 = arith.constant 0 : i32
      %dma_start3A_45 = tpu.memref_slice %arg10[%add3A_12, %dma_start3A_44] : memref<10240x128xf32, #tpu.memory_space<vmem_shared>> -> memref<80x128xf32, #tpu.memory_space<vmem_shared>>
      tpu.enqueue_dma source(%arg9 : memref<80x128xf32, #tpu.memory_space<vmem>>) target(%dma_start3A_45 : memref<80x128xf32, #tpu.memory_space<vmem_shared>>) target_semaphore(%run_scoped3A : memref<!tpu.dma_semaphore, #tpu.memory_space<semaphore_mem>>)
      %dma_wait3A = arith.constant 0 : i32
      %dma_wait3A_46 = tpu.memref_slice %arg10[%add3A_12, %dma_wait3A] : memref<10240x128xf32, #tpu.memory_space<vmem_shared>> -> memref<80x128xf32, #tpu.memory_space<vmem_shared>>
      %dma_wait3A_47 = arith.constant 0 : i32
      %dma_wait3A_48 = tpu.memref_slice %arg10[%add3A_12, %dma_wait3A_47] : memref<10240x128xf32, #tpu.memory_space<vmem_shared>> -> memref<80x128xf32, #tpu.memory_space<vmem_shared>>
      tpu.wait_dma2 semaphore(%run_scoped3A : memref<!tpu.dma_semaphore, #tpu.memory_space<semaphore_mem>>) src(%arg9 : memref<80x128xf32, #tpu.memory_space<vmem>>) dst(%dma_wait3A_48 : memref<80x128xf32, #tpu.memory_space<vmem_shared>>)
      tpu.yield
    }) : () -> ()
    %add3A_13 = arith.constant 320 : i32
    %add3A_14 = arith.addi %mul3A_4, %add3A_13 : i32
    "tpu.region"() ({
      %run_scoped3A = tpu.sem_alloc : memref<!tpu.dma_semaphore, #tpu.memory_space<semaphore_mem>>
      %dma_start3A = arith.constant 0 : i32
      %dma_start3A_43 = tpu.memref_slice %arg10[%add3A_14, %dma_start3A] : memref<10240x128xf32, #tpu.memory_space<vmem_shared>> -> memref<80x128xf32, #tpu.memory_space<vmem_shared>>
      %dma_start3A_44 = arith.constant 0 : i32
      %dma_start3A_45 = tpu.memref_slice %arg10[%add3A_14, %dma_start3A_44] : memref<10240x128xf32, #tpu.memory_space<vmem_shared>> -> memref<80x128xf32, #tpu.memory_space<vmem_shared>>
      tpu.enqueue_dma source(%arg9 : memref<80x128xf32, #tpu.memory_space<vmem>>) target(%dma_start3A_45 : memref<80x128xf32, #tpu.memory_space<vmem_shared>>) target_semaphore(%run_scoped3A : memref<!tpu.dma_semaphore, #tpu.memory_space<semaphore_mem>>)
      %dma_wait3A = arith.constant 0 : i32
      %dma_wait3A_46 = tpu.memref_slice %arg10[%add3A_14, %dma_wait3A] : memref<10240x128xf32, #tpu.memory_space<vmem_shared>> -> memref<80x128xf32, #tpu.memory_space<vmem_shared>>
      %dma_wait3A_47 = arith.constant 0 : i32
      %dma_wait3A_48 = tpu.memref_slice %arg10[%add3A_14, %dma_wait3A_47] : memref<10240x128xf32, #tpu.memory_space<vmem_shared>> -> memref<80x128xf32, #tpu.memory_space<vmem_shared>>
      tpu.wait_dma2 semaphore(%run_scoped3A : memref<!tpu.dma_semaphore, #tpu.memory_space<semaphore_mem>>) src(%arg9 : memref<80x128xf32, #tpu.memory_space<vmem>>) dst(%dma_wait3A_48 : memref<80x128xf32, #tpu.memory_space<vmem_shared>>)
      tpu.yield
    }) : () -> ()
    %add3A_15 = arith.constant 400 : i32
    %add3A_16 = arith.addi %mul3A_4, %add3A_15 : i32
    "tpu.region"() ({
      %run_scoped3A = tpu.sem_alloc : memref<!tpu.dma_semaphore, #tpu.memory_space<semaphore_mem>>
      %dma_start3A = arith.constant 0 : i32
      %dma_start3A_43 = tpu.memref_slice %arg10[%add3A_16, %dma_start3A] : memref<10240x128xf32, #tpu.memory_space<vmem_shared>> -> memref<80x128xf32, #tpu.memory_space<vmem_shared>>
      %dma_start3A_44 = arith.constant 0 : i32
      %dma_start3A_45 = tpu.memref_slice %arg10[%add3A_16, %dma_start3A_44] : memref<10240x128xf32, #tpu.memory_space<vmem_shared>> -> memref<80x128xf32, #tpu.memory_space<vmem_shared>>
      tpu.enqueue_dma source(%arg9 : memref<80x128xf32, #tpu.memory_space<vmem>>) target(%dma_start3A_45 : memref<80x128xf32, #tpu.memory_space<vmem_shared>>) target_semaphore(%run_scoped3A : memref<!tpu.dma_semaphore, #tpu.memory_space<semaphore_mem>>)
      %dma_wait3A = arith.constant 0 : i32
      %dma_wait3A_46 = tpu.memref_slice %arg10[%add3A_16, %dma_wait3A] : memref<10240x128xf32, #tpu.memory_space<vmem_shared>> -> memref<80x128xf32, #tpu.memory_space<vmem_shared>>
      %dma_wait3A_47 = arith.constant 0 : i32
      %dma_wait3A_48 = tpu.memref_slice %arg10[%add3A_16, %dma_wait3A_47] : memref<10240x128xf32, #tpu.memory_space<vmem_shared>> -> memref<80x128xf32, #tpu.memory_space<vmem_shared>>
      tpu.wait_dma2 semaphore(%run_scoped3A : memref<!tpu.dma_semaphore, #tpu.memory_space<semaphore_mem>>) src(%arg9 : memref<80x128xf32, #tpu.memory_space<vmem>>) dst(%dma_wait3A_48 : memref<80x128xf32, #tpu.memory_space<vmem_shared>>)
      tpu.yield
    }) : () -> ()
    %add3A_17 = arith.constant 480 : i32
    %add3A_18 = arith.addi %mul3A_4, %add3A_17 : i32
    "tpu.region"() ({
      %run_scoped3A = tpu.sem_alloc : memref<!tpu.dma_semaphore, #tpu.memory_space<semaphore_mem>>
      %dma_start3A = arith.constant 0 : i32
      %dma_start3A_43 = tpu.memref_slice %arg10[%add3A_18, %dma_start3A] : memref<10240x128xf32, #tpu.memory_space<vmem_shared>> -> memref<80x128xf32, #tpu.memory_space<vmem_shared>>
      %dma_start3A_44 = arith.constant 0 : i32
      %dma_start3A_45 = tpu.memref_slice %arg10[%add3A_18, %dma_start3A_44] : memref<10240x128xf32, #tpu.memory_space<vmem_shared>> -> memref<80x128xf32, #tpu.memory_space<vmem_shared>>
      tpu.enqueue_dma source(%arg9 : memref<80x128xf32, #tpu.memory_space<vmem>>) target(%dma_start3A_45 : memref<80x128xf32, #tpu.memory_space<vmem_shared>>) target_semaphore(%run_scoped3A : memref<!tpu.dma_semaphore, #tpu.memory_space<semaphore_mem>>)
      %dma_wait3A = arith.constant 0 : i32
      %dma_wait3A_46 = tpu.memref_slice %arg10[%add3A_18, %dma_wait3A] : memref<10240x128xf32, #tpu.memory_space<vmem_shared>> -> memref<80x128xf32, #tpu.memory_space<vmem_shared>>
      %dma_wait3A_47 = arith.constant 0 : i32
      %dma_wait3A_48 = tpu.memref_slice %arg10[%add3A_18, %dma_wait3A_47] : memref<10240x128xf32, #tpu.memory_space<vmem_shared>> -> memref<80x128xf32, #tpu.memory_space<vmem_shared>>
      tpu.wait_dma2 semaphore(%run_scoped3A : memref<!tpu.dma_semaphore, #tpu.memory_space<semaphore_mem>>) src(%arg9 : memref<80x128xf32, #tpu.memory_space<vmem>>) dst(%dma_wait3A_48 : memref<80x128xf32, #tpu.memory_space<vmem_shared>>)
      tpu.yield
    }) : () -> ()
    %add3A_19 = arith.constant 560 : i32
    %add3A_20 = arith.addi %mul3A_4, %add3A_19 : i32
    "tpu.region"() ({
      %run_scoped3A = tpu.sem_alloc : memref<!tpu.dma_semaphore, #tpu.memory_space<semaphore_mem>>
      %dma_start3A = arith.constant 0 : i32
      %dma_start3A_43 = tpu.memref_slice %arg10[%add3A_20, %dma_start3A] : memref<10240x128xf32, #tpu.memory_space<vmem_shared>> -> memref<80x128xf32, #tpu.memory_space<vmem_shared>>
      %dma_start3A_44 = arith.constant 0 : i32
      %dma_start3A_45 = tpu.memref_slice %arg10[%add3A_20, %dma_start3A_44] : memref<10240x128xf32, #tpu.memory_space<vmem_shared>> -> memref<80x128xf32, #tpu.memory_space<vmem_shared>>
      tpu.enqueue_dma source(%arg9 : memref<80x128xf32, #tpu.memory_space<vmem>>) target(%dma_start3A_45 : memref<80x128xf32, #tpu.memory_space<vmem_shared>>) target_semaphore(%run_scoped3A : memref<!tpu.dma_semaphore, #tpu.memory_space<semaphore_mem>>)
      %dma_wait3A = arith.constant 0 : i32
      %dma_wait3A_46 = tpu.memref_slice %arg10[%add3A_20, %dma_wait3A] : memref<10240x128xf32, #tpu.memory_space<vmem_shared>> -> memref<80x128xf32, #tpu.memory_space<vmem_shared>>
      %dma_wait3A_47 = arith.constant 0 : i32
      %dma_wait3A_48 = tpu.memref_slice %arg10[%add3A_20, %dma_wait3A_47] : memref<10240x128xf32, #tpu.memory_space<vmem_shared>> -> memref<80x128xf32, #tpu.memory_space<vmem_shared>>
      tpu.wait_dma2 semaphore(%run_scoped3A : memref<!tpu.dma_semaphore, #tpu.memory_space<semaphore_mem>>) src(%arg9 : memref<80x128xf32, #tpu.memory_space<vmem>>) dst(%dma_wait3A_48 : memref<80x128xf32, #tpu.memory_space<vmem_shared>>)
      tpu.yield
    }) : () -> ()
    %barrier3A = arith.constant 0 : index
    tpu.barrier barrier_id(%barrier3A)
    %scan3A = arith.constant 0 : i32
    %scan3A_21 = arith.constant 0 : i32
    %scan3A_22 = arith.constant 125 : i32
    %scan3A_23 = arith.addi %scan3A_21, %scan3A_22 : i32
    %scan3A_24 = arith.constant 1 : i32
    scf.for %scan3A_43 = %scan3A_21 to %scan3A_23 step %scan3A_24  : i32 {
      %mul3A_44 = arith.constant 80 : i32
      %mul3A_45 = arith.muli %scan3A_43, %mul3A_44 : i32
      %add3A_46 = arith.addi %mul3A_2, %mul3A_45 : i32
      "tpu.region"() ({
        %run_scoped3A = tpu.sem_alloc : memref<!tpu.dma_semaphore, #tpu.memory_space<semaphore_mem>>
        %dma_start3A_51 = tpu.memref_slice %arg2[%add3A_46] : memref<320000xi32, #tpu.memory_space<hbm>> -> memref<80xi32, #tpu.memory_space<hbm>>
        %dma_start3A_52 = tpu.memref_slice %arg2[%add3A_46] : memref<320000xi32, #tpu.memory_space<hbm>> -> memref<80xi32, #tpu.memory_space<hbm>>
        tpu.enqueue_dma source(%dma_start3A_52 : memref<80xi32, #tpu.memory_space<hbm>>) target(%arg7 : memref<80xi32, #tpu.memory_space<vmem>>) target_semaphore(%run_scoped3A : memref<!tpu.dma_semaphore, #tpu.memory_space<semaphore_mem>>)
        %dma_wait3A_53 = tpu.memref_slice %arg2[%add3A_46] : memref<320000xi32, #tpu.memory_space<hbm>> -> memref<80xi32, #tpu.memory_space<hbm>>
        %dma_wait3A_54 = tpu.memref_slice %arg2[%add3A_46] : memref<320000xi32, #tpu.memory_space<hbm>> -> memref<80xi32, #tpu.memory_space<hbm>>
        tpu.wait_dma2 semaphore(%run_scoped3A : memref<!tpu.dma_semaphore, #tpu.memory_space<semaphore_mem>>) src(%dma_wait3A_54 : memref<80xi32, #tpu.memory_space<hbm>>) dst(%arg7 : memref<80xi32, #tpu.memory_space<vmem>>)
        tpu.yield
      }) : () -> ()
      "tpu.region"() ({
        %run_scoped3A = tpu.sem_alloc : memref<!tpu.dma_semaphore, #tpu.memory_space<semaphore_mem>>
        %dma_start3A_51 = tpu.memref_slice %arg3[%add3A_46] : memref<320000xi32, #tpu.memory_space<hbm>> -> memref<80xi32, #tpu.memory_space<hbm>>
        %dma_start3A_52 = tpu.memref_slice %arg3[%add3A_46] : memref<320000xi32, #tpu.memory_space<hbm>> -> memref<80xi32, #tpu.memory_space<hbm>>
        tpu.enqueue_dma source(%dma_start3A_52 : memref<80xi32, #tpu.memory_space<hbm>>) target(%arg8 : memref<80xi32, #tpu.memory_space<vmem>>) target_semaphore(%run_scoped3A : memref<!tpu.dma_semaphore, #tpu.memory_space<semaphore_mem>>)
        %dma_wait3A_53 = tpu.memref_slice %arg3[%add3A_46] : memref<320000xi32, #tpu.memory_space<hbm>> -> memref<80xi32, #tpu.memory_space<hbm>>
        %dma_wait3A_54 = tpu.memref_slice %arg3[%add3A_46] : memref<320000xi32, #tpu.memory_space<hbm>> -> memref<80xi32, #tpu.memory_space<hbm>>
        tpu.wait_dma2 semaphore(%run_scoped3A : memref<!tpu.dma_semaphore, #tpu.memory_space<semaphore_mem>>) src(%dma_wait3A_54 : memref<80xi32, #tpu.memory_space<hbm>>) dst(%arg8 : memref<80xi32, #tpu.memory_space<vmem>>)
        tpu.yield
      }) : () -> ()
      %dma_start3A = arith.constant 0 : i32
      %dma_start3A_47 = arith.constant 0 : i32
      %dma_start3A_48 = tpu.memref_slice %arg4[%dma_start3A, %dma_start3A_47] : memref<10000x128xf32, #tpu.memory_space<hbm>> -> memref<10000x128xf32, #tpu.memory_space<hbm>>
      tpu.enqueue_indirect_dma source(%dma_start3A_48 : memref<10000x128xf32, #tpu.memory_space<hbm>>) target(%arg9 : memref<80x128xf32, #tpu.memory_space<vmem>>) offsets(%arg7 : memref<80xi32, #tpu.memory_space<vmem>>) semaphore(%arg11 : memref<!tpu.dma_semaphore, #tpu.memory_space<semaphore_mem>>)
      %dma_wait3A = arith.constant 0 : i32
      %dma_wait3A_49 = arith.constant 0 : i32
      %dma_wait3A_50 = tpu.memref_slice %arg4[%dma_wait3A, %dma_wait3A_49] : memref<10000x128xf32, #tpu.memory_space<hbm>> -> memref<10000x128xf32, #tpu.memory_space<hbm>>
      tpu.wait_indirect_dma semaphore(%arg11 : memref<!tpu.dma_semaphore, #tpu.memory_space<semaphore_mem>>) src(%dma_wait3A_50 : memref<10000x128xf32, #tpu.memory_space<hbm>>) dst(%arg9 : memref<80x128xf32, #tpu.memory_space<vmem>>)
      "tpu.region"() ({
        %run_scoped3A = tpu.sem_alloc : memref<!tpu.dma_semaphore, #tpu.memory_space<semaphore_mem>>
        %dma_start3A_51 = arith.constant 0 : i32
        %dma_start3A_52 = arith.constant 0 : i32
        %dma_start3A_53 = tpu.memref_slice %arg10[%dma_start3A_51, %dma_start3A_52] : memref<10240x128xf32, #tpu.memory_space<vmem_shared>> -> memref<10240x128xf32, #tpu.memory_space<vmem_shared>>
        tpu.enqueue_indirect_dma source(%arg9 : memref<80x128xf32, #tpu.memory_space<vmem>>) target(%dma_start3A_53 : memref<10240x128xf32, #tpu.memory_space<vmem_shared>>) offsets(%arg8 : memref<80xi32, #tpu.memory_space<vmem>>) semaphore(%run_scoped3A : memref<!tpu.dma_semaphore, #tpu.memory_space<semaphore_mem>>) {add = true}
        %dma_wait3A_54 = arith.constant 0 : i32
        %dma_wait3A_55 = arith.constant 0 : i32
        %dma_wait3A_56 = tpu.memref_slice %arg10[%dma_wait3A_54, %dma_wait3A_55] : memref<10240x128xf32, #tpu.memory_space<vmem_shared>> -> memref<10240x128xf32, #tpu.memory_space<vmem_shared>>
        tpu.wait_indirect_dma semaphore(%run_scoped3A : memref<!tpu.dma_semaphore, #tpu.memory_space<semaphore_mem>>) src(%arg9 : memref<80x128xf32, #tpu.memory_space<vmem>>) dst(%dma_wait3A_56 : memref<10240x128xf32, #tpu.memory_space<vmem_shared>>)
        tpu.yield
      }) : () -> ()
    }
    %scan3A_25 = arith.constant 125 : i32
    %barrier3A_26 = arith.constant 0 : index
    tpu.barrier barrier_id(%barrier3A_26)
    %add3A_27 = arith.constant 0 : i32
    %add3A_28 = arith.addi %mul3A_4, %add3A_27 : i32
    "tpu.region"() ({
      %run_scoped3A = tpu.sem_alloc : memref<!tpu.dma_semaphore, #tpu.memory_space<semaphore_mem>>
      %dma_start3A = arith.constant 0 : i32
      %dma_start3A_43 = tpu.memref_slice %arg10[%add3A_28, %dma_start3A] : memref<10240x128xf32, #tpu.memory_space<vmem_shared>> -> memref<80x128xf32, #tpu.memory_space<vmem_shared>>
      %dma_start3A_44 = arith.constant 0 : i32
      %dma_start3A_45 = tpu.memref_slice %arg10[%add3A_28, %dma_start3A_44] : memref<10240x128xf32, #tpu.memory_space<vmem_shared>> -> memref<80x128xf32, #tpu.memory_space<vmem_shared>>
      tpu.enqueue_dma source(%dma_start3A_45 : memref<80x128xf32, #tpu.memory_space<vmem_shared>>) target(%arg9 : memref<80x128xf32, #tpu.memory_space<vmem>>) target_semaphore(%run_scoped3A : memref<!tpu.dma_semaphore, #tpu.memory_space<semaphore_mem>>)
      %dma_wait3A = arith.constant 0 : i32
      %dma_wait3A_46 = tpu.memref_slice %arg10[%add3A_28, %dma_wait3A] : memref<10240x128xf32, #tpu.memory_space<vmem_shared>> -> memref<80x128xf32, #tpu.memory_space<vmem_shared>>
      %dma_wait3A_47 = arith.constant 0 : i32
      %dma_wait3A_48 = tpu.memref_slice %arg10[%add3A_28, %dma_wait3A_47] : memref<10240x128xf32, #tpu.memory_space<vmem_shared>> -> memref<80x128xf32, #tpu.memory_space<vmem_shared>>
      tpu.wait_dma2 semaphore(%run_scoped3A : memref<!tpu.dma_semaphore, #tpu.memory_space<semaphore_mem>>) src(%dma_wait3A_48 : memref<80x128xf32, #tpu.memory_space<vmem_shared>>) dst(%arg9 : memref<80x128xf32, #tpu.memory_space<vmem>>)
      tpu.yield
    }) : () -> ()
    "tpu.region"() ({
      %run_scoped3A = tpu.sem_alloc : memref<!tpu.dma_semaphore, #tpu.memory_space<semaphore_mem>>
      %dma_start3A = arith.constant 0 : i32
      %dma_start3A_43 = tpu.memref_slice %arg6[%arg0, %add3A_28, %dma_start3A] : memref<2x10240x128xf32, #tpu.memory_space<hbm>> -> memref<1x80x128xf32, #tpu.memory_space<hbm>>
      %dma_start3A_44 = tpu.memref_squeeze %dma_start3A_43 : memref<1x80x128xf32, #tpu.memory_space<hbm>> -> memref<80x128xf32, #tpu.memory_space<hbm>>
      %dma_start3A_45 = arith.constant 0 : i32
      %dma_start3A_46 = tpu.memref_slice %arg6[%arg0, %add3A_28, %dma_start3A_45] : memref<2x10240x128xf32, #tpu.memory_space<hbm>> -> memref<1x80x128xf32, #tpu.memory_space<hbm>>
      %dma_start3A_47 = tpu.memref_squeeze %dma_start3A_46 : memref<1x80x128xf32, #tpu.memory_space<hbm>> -> memref<80x128xf32, #tpu.memory_space<hbm>>
      tpu.enqueue_dma source(%arg9 : memref<80x128xf32, #tpu.memory_space<vmem>>) target(%dma_start3A_47 : memref<80x128xf32, #tpu.memory_space<hbm>>) target_semaphore(%run_scoped3A : memref<!tpu.dma_semaphore, #tpu.memory_space<semaphore_mem>>)
      %dma_wait3A = arith.constant 0 : i32
      %dma_wait3A_48 = tpu.memref_slice %arg6[%arg0, %add3A_28, %dma_wait3A] : memref<2x10240x128xf32, #tpu.memory_space<hbm>> -> memref<1x80x128xf32, #tpu.memory_space<hbm>>
      %dma_wait3A_49 = tpu.memref_squeeze %dma_wait3A_48 : memref<1x80x128xf32, #tpu.memory_space<hbm>> -> memref<80x128xf32, #tpu.memory_space<hbm>>
      %dma_wait3A_50 = arith.constant 0 : i32
      %dma_wait3A_51 = tpu.memref_slice %arg6[%arg0, %add3A_28, %dma_wait3A_50] : memref<2x10240x128xf32, #tpu.memory_space<hbm>> -> memref<1x80x128xf32, #tpu.memory_space<hbm>>
      %dma_wait3A_52 = tpu.memref_squeeze %dma_wait3A_51 : memref<1x80x128xf32, #tpu.memory_space<hbm>> -> memref<80x128xf32, #tpu.memory_space<hbm>>
      tpu.wait_dma2 semaphore(%run_scoped3A : memref<!tpu.dma_semaphore, #tpu.memory_space<semaphore_mem>>) src(%arg9 : memref<80x128xf32, #tpu.memory_space<vmem>>) dst(%dma_wait3A_52 : memref<80x128xf32, #tpu.memory_space<hbm>>)
      tpu.yield
    }) : () -> ()
    %add3A_29 = arith.constant 80 : i32
    %add3A_30 = arith.addi %mul3A_4, %add3A_29 : i32
    "tpu.region"() ({
      %run_scoped3A = tpu.sem_alloc : memref<!tpu.dma_semaphore, #tpu.memory_space<semaphore_mem>>
      %dma_start3A = arith.constant 0 : i32
      %dma_start3A_43 = tpu.memref_slice %arg10[%add3A_30, %dma_start3A] : memref<10240x128xf32, #tpu.memory_space<vmem_shared>> -> memref<80x128xf32, #tpu.memory_space<vmem_shared>>
      %dma_start3A_44 = arith.constant 0 : i32
      %dma_start3A_45 = tpu.memref_slice %arg10[%add3A_30, %dma_start3A_44] : memref<10240x128xf32, #tpu.memory_space<vmem_shared>> -> memref<80x128xf32, #tpu.memory_space<vmem_shared>>
      tpu.enqueue_dma source(%dma_start3A_45 : memref<80x128xf32, #tpu.memory_space<vmem_shared>>) target(%arg9 : memref<80x128xf32, #tpu.memory_space<vmem>>) target_semaphore(%run_scoped3A : memref<!tpu.dma_semaphore, #tpu.memory_space<semaphore_mem>>)
      %dma_wait3A = arith.constant 0 : i32
      %dma_wait3A_46 = tpu.memref_slice %arg10[%add3A_30, %dma_wait3A] : memref<10240x128xf32, #tpu.memory_space<vmem_shared>> -> memref<80x128xf32, #tpu.memory_space<vmem_shared>>
      %dma_wait3A_47 = arith.constant 0 : i32
      %dma_wait3A_48 = tpu.memref_slice %arg10[%add3A_30, %dma_wait3A_47] : memref<10240x128xf32, #tpu.memory_space<vmem_shared>> -> memref<80x128xf32, #tpu.memory_space<vmem_shared>>
      tpu.wait_dma2 semaphore(%run_scoped3A : memref<!tpu.dma_semaphore, #tpu.memory_space<semaphore_mem>>) src(%dma_wait3A_48 : memref<80x128xf32, #tpu.memory_space<vmem_shared>>) dst(%arg9 : memref<80x128xf32, #tpu.memory_space<vmem>>)
      tpu.yield
    }) : () -> ()
    "tpu.region"() ({
      %run_scoped3A = tpu.sem_alloc : memref<!tpu.dma_semaphore, #tpu.memory_space<semaphore_mem>>
      %dma_start3A = arith.constant 0 : i32
      %dma_start3A_43 = tpu.memref_slice %arg6[%arg0, %add3A_30, %dma_start3A] : memref<2x10240x128xf32, #tpu.memory_space<hbm>> -> memref<1x80x128xf32, #tpu.memory_space<hbm>>
      %dma_start3A_44 = tpu.memref_squeeze %dma_start3A_43 : memref<1x80x128xf32, #tpu.memory_space<hbm>> -> memref<80x128xf32, #tpu.memory_space<hbm>>
      %dma_start3A_45 = arith.constant 0 : i32
      %dma_start3A_46 = tpu.memref_slice %arg6[%arg0, %add3A_30, %dma_start3A_45] : memref<2x10240x128xf32, #tpu.memory_space<hbm>> -> memref<1x80x128xf32, #tpu.memory_space<hbm>>
      %dma_start3A_47 = tpu.memref_squeeze %dma_start3A_46 : memref<1x80x128xf32, #tpu.memory_space<hbm>> -> memref<80x128xf32, #tpu.memory_space<hbm>>
      tpu.enqueue_dma source(%arg9 : memref<80x128xf32, #tpu.memory_space<vmem>>) target(%dma_start3A_47 : memref<80x128xf32, #tpu.memory_space<hbm>>) target_semaphore(%run_scoped3A : memref<!tpu.dma_semaphore, #tpu.memory_space<semaphore_mem>>)
      %dma_wait3A = arith.constant 0 : i32
      %dma_wait3A_48 = tpu.memref_slice %arg6[%arg0, %add3A_30, %dma_wait3A] : memref<2x10240x128xf32, #tpu.memory_space<hbm>> -> memref<1x80x128xf32, #tpu.memory_space<hbm>>
      %dma_wait3A_49 = tpu.memref_squeeze %dma_wait3A_48 : memref<1x80x128xf32, #tpu.memory_space<hbm>> -> memref<80x128xf32, #tpu.memory_space<hbm>>
      %dma_wait3A_50 = arith.constant 0 : i32
      %dma_wait3A_51 = tpu.memref_slice %arg6[%arg0, %add3A_30, %dma_wait3A_50] : memref<2x10240x128xf32, #tpu.memory_space<hbm>> -> memref<1x80x128xf32, #tpu.memory_space<hbm>>
      %dma_wait3A_52 = tpu.memref_squeeze %dma_wait3A_51 : memref<1x80x128xf32, #tpu.memory_space<hbm>> -> memref<80x128xf32, #tpu.memory_space<hbm>>
      tpu.wait_dma2 semaphore(%run_scoped3A : memref<!tpu.dma_semaphore, #tpu.memory_space<semaphore_mem>>) src(%arg9 : memref<80x128xf32, #tpu.memory_space<vmem>>) dst(%dma_wait3A_52 : memref<80x128xf32, #tpu.memory_space<hbm>>)
      tpu.yield
    }) : () -> ()
    %add3A_31 = arith.constant 160 : i32
    %add3A_32 = arith.addi %mul3A_4, %add3A_31 : i32
    "tpu.region"() ({
      %run_scoped3A = tpu.sem_alloc : memref<!tpu.dma_semaphore, #tpu.memory_space<semaphore_mem>>
      %dma_start3A = arith.constant 0 : i32
      %dma_start3A_43 = tpu.memref_slice %arg10[%add3A_32, %dma_start3A] : memref<10240x128xf32, #tpu.memory_space<vmem_shared>> -> memref<80x128xf32, #tpu.memory_space<vmem_shared>>
      %dma_start3A_44 = arith.constant 0 : i32
      %dma_start3A_45 = tpu.memref_slice %arg10[%add3A_32, %dma_start3A_44] : memref<10240x128xf32, #tpu.memory_space<vmem_shared>> -> memref<80x128xf32, #tpu.memory_space<vmem_shared>>
      tpu.enqueue_dma source(%dma_start3A_45 : memref<80x128xf32, #tpu.memory_space<vmem_shared>>) target(%arg9 : memref<80x128xf32, #tpu.memory_space<vmem>>) target_semaphore(%run_scoped3A : memref<!tpu.dma_semaphore, #tpu.memory_space<semaphore_mem>>)
      %dma_wait3A = arith.constant 0 : i32
      %dma_wait3A_46 = tpu.memref_slice %arg10[%add3A_32, %dma_wait3A] : memref<10240x128xf32, #tpu.memory_space<vmem_shared>> -> memref<80x128xf32, #tpu.memory_space<vmem_shared>>
      %dma_wait3A_47 = arith.constant 0 : i32
      %dma_wait3A_48 = tpu.memref_slice %arg10[%add3A_32, %dma_wait3A_47] : memref<10240x128xf32, #tpu.memory_space<vmem_shared>> -> memref<80x128xf32, #tpu.memory_space<vmem_shared>>
      tpu.wait_dma2 semaphore(%run_scoped3A : memref<!tpu.dma_semaphore, #tpu.memory_space<semaphore_mem>>) src(%dma_wait3A_48 : memref<80x128xf32, #tpu.memory_space<vmem_shared>>) dst(%arg9 : memref<80x128xf32, #tpu.memory_space<vmem>>)
      tpu.yield
    }) : () -> ()
    "tpu.region"() ({
      %run_scoped3A = tpu.sem_alloc : memref<!tpu.dma_semaphore, #tpu.memory_space<semaphore_mem>>
      %dma_start3A = arith.constant 0 : i32
      %dma_start3A_43 = tpu.memref_slice %arg6[%arg0, %add3A_32, %dma_start3A] : memref<2x10240x128xf32, #tpu.memory_space<hbm>> -> memref<1x80x128xf32, #tpu.memory_space<hbm>>
      %dma_start3A_44 = tpu.memref_squeeze %dma_start3A_43 : memref<1x80x128xf32, #tpu.memory_space<hbm>> -> memref<80x128xf32, #tpu.memory_space<hbm>>
      %dma_start3A_45 = arith.constant 0 : i32
      %dma_start3A_46 = tpu.memref_slice %arg6[%arg0, %add3A_32, %dma_start3A_45] : memref<2x10240x128xf32, #tpu.memory_space<hbm>> -> memref<1x80x128xf32, #tpu.memory_space<hbm>>
      %dma_start3A_47 = tpu.memref_squeeze %dma_start3A_46 : memref<1x80x128xf32, #tpu.memory_space<hbm>> -> memref<80x128xf32, #tpu.memory_space<hbm>>
      tpu.enqueue_dma source(%arg9 : memref<80x128xf32, #tpu.memory_space<vmem>>) target(%dma_start3A_47 : memref<80x128xf32, #tpu.memory_space<hbm>>) target_semaphore(%run_scoped3A : memref<!tpu.dma_semaphore, #tpu.memory_space<semaphore_mem>>)
      %dma_wait3A = arith.constant 0 : i32
      %dma_wait3A_48 = tpu.memref_slice %arg6[%arg0, %add3A_32, %dma_wait3A] : memref<2x10240x128xf32, #tpu.memory_space<hbm>> -> memref<1x80x128xf32, #tpu.memory_space<hbm>>
      %dma_wait3A_49 = tpu.memref_squeeze %dma_wait3A_48 : memref<1x80x128xf32, #tpu.memory_space<hbm>> -> memref<80x128xf32, #tpu.memory_space<hbm>>
      %dma_wait3A_50 = arith.constant 0 : i32
      %dma_wait3A_51 = tpu.memref_slice %arg6[%arg0, %add3A_32, %dma_wait3A_50] : memref<2x10240x128xf32, #tpu.memory_space<hbm>> -> memref<1x80x128xf32, #tpu.memory_space<hbm>>
      %dma_wait3A_52 = tpu.memref_squeeze %dma_wait3A_51 : memref<1x80x128xf32, #tpu.memory_space<hbm>> -> memref<80x128xf32, #tpu.memory_space<hbm>>
      tpu.wait_dma2 semaphore(%run_scoped3A : memref<!tpu.dma_semaphore, #tpu.memory_space<semaphore_mem>>) src(%arg9 : memref<80x128xf32, #tpu.memory_space<vmem>>) dst(%dma_wait3A_52 : memref<80x128xf32, #tpu.memory_space<hbm>>)
      tpu.yield
    }) : () -> ()
    %add3A_33 = arith.constant 240 : i32
    %add3A_34 = arith.addi %mul3A_4, %add3A_33 : i32
    "tpu.region"() ({
      %run_scoped3A = tpu.sem_alloc : memref<!tpu.dma_semaphore, #tpu.memory_space<semaphore_mem>>
      %dma_start3A = arith.constant 0 : i32
      %dma_start3A_43 = tpu.memref_slice %arg10[%add3A_34, %dma_start3A] : memref<10240x128xf32, #tpu.memory_space<vmem_shared>> -> memref<80x128xf32, #tpu.memory_space<vmem_shared>>
      %dma_start3A_44 = arith.constant 0 : i32
      %dma_start3A_45 = tpu.memref_slice %arg10[%add3A_34, %dma_start3A_44] : memref<10240x128xf32, #tpu.memory_space<vmem_shared>> -> memref<80x128xf32, #tpu.memory_space<vmem_shared>>
      tpu.enqueue_dma source(%dma_start3A_45 : memref<80x128xf32, #tpu.memory_space<vmem_shared>>) target(%arg9 : memref<80x128xf32, #tpu.memory_space<vmem>>) target_semaphore(%run_scoped3A : memref<!tpu.dma_semaphore, #tpu.memory_space<semaphore_mem>>)
      %dma_wait3A = arith.constant 0 : i32
      %dma_wait3A_46 = tpu.memref_slice %arg10[%add3A_34, %dma_wait3A] : memref<10240x128xf32, #tpu.memory_space<vmem_shared>> -> memref<80x128xf32, #tpu.memory_space<vmem_shared>>
      %dma_wait3A_47 = arith.constant 0 : i32
      %dma_wait3A_48 = tpu.memref_slice %arg10[%add3A_34, %dma_wait3A_47] : memref<10240x128xf32, #tpu.memory_space<vmem_shared>> -> memref<80x128xf32, #tpu.memory_space<vmem_shared>>
      tpu.wait_dma2 semaphore(%run_scoped3A : memref<!tpu.dma_semaphore, #tpu.memory_space<semaphore_mem>>) src(%dma_wait3A_48 : memref<80x128xf32, #tpu.memory_space<vmem_shared>>) dst(%arg9 : memref<80x128xf32, #tpu.memory_space<vmem>>)
      tpu.yield
    }) : () -> ()
    "tpu.region"() ({
      %run_scoped3A = tpu.sem_alloc : memref<!tpu.dma_semaphore, #tpu.memory_space<semaphore_mem>>
      %dma_start3A = arith.constant 0 : i32
      %dma_start3A_43 = tpu.memref_slice %arg6[%arg0, %add3A_34, %dma_start3A] : memref<2x10240x128xf32, #tpu.memory_space<hbm>> -> memref<1x80x128xf32, #tpu.memory_space<hbm>>
      %dma_start3A_44 = tpu.memref_squeeze %dma_start3A_43 : memref<1x80x128xf32, #tpu.memory_space<hbm>> -> memref<80x128xf32, #tpu.memory_space<hbm>>
      %dma_start3A_45 = arith.constant 0 : i32
      %dma_start3A_46 = tpu.memref_slice %arg6[%arg0, %add3A_34, %dma_start3A_45] : memref<2x10240x128xf32, #tpu.memory_space<hbm>> -> memref<1x80x128xf32, #tpu.memory_space<hbm>>
      %dma_start3A_47 = tpu.memref_squeeze %dma_start3A_46 : memref<1x80x128xf32, #tpu.memory_space<hbm>> -> memref<80x128xf32, #tpu.memory_space<hbm>>
      tpu.enqueue_dma source(%arg9 : memref<80x128xf32, #tpu.memory_space<vmem>>) target(%dma_start3A_47 : memref<80x128xf32, #tpu.memory_space<hbm>>) target_semaphore(%run_scoped3A : memref<!tpu.dma_semaphore, #tpu.memory_space<semaphore_mem>>)
      %dma_wait3A = arith.constant 0 : i32
      %dma_wait3A_48 = tpu.memref_slice %arg6[%arg0, %add3A_34, %dma_wait3A] : memref<2x10240x128xf32, #tpu.memory_space<hbm>> -> memref<1x80x128xf32, #tpu.memory_space<hbm>>
      %dma_wait3A_49 = tpu.memref_squeeze %dma_wait3A_48 : memref<1x80x128xf32, #tpu.memory_space<hbm>> -> memref<80x128xf32, #tpu.memory_space<hbm>>
      %dma_wait3A_50 = arith.constant 0 : i32
      %dma_wait3A_51 = tpu.memref_slice %arg6[%arg0, %add3A_34, %dma_wait3A_50] : memref<2x10240x128xf32, #tpu.memory_space<hbm>> -> memref<1x80x128xf32, #tpu.memory_space<hbm>>
      %dma_wait3A_52 = tpu.memref_squeeze %dma_wait3A_51 : memref<1x80x128xf32, #tpu.memory_space<hbm>> -> memref<80x128xf32, #tpu.memory_space<hbm>>
      tpu.wait_dma2 semaphore(%run_scoped3A : memref<!tpu.dma_semaphore, #tpu.memory_space<semaphore_mem>>) src(%arg9 : memref<80x128xf32, #tpu.memory_space<vmem>>) dst(%dma_wait3A_52 : memref<80x128xf32, #tpu.memory_space<hbm>>)
      tpu.yield
    }) : () -> ()
    %add3A_35 = arith.constant 320 : i32
    %add3A_36 = arith.addi %mul3A_4, %add3A_35 : i32
    "tpu.region"() ({
      %run_scoped3A = tpu.sem_alloc : memref<!tpu.dma_semaphore, #tpu.memory_space<semaphore_mem>>
      %dma_start3A = arith.constant 0 : i32
      %dma_start3A_43 = tpu.memref_slice %arg10[%add3A_36, %dma_start3A] : memref<10240x128xf32, #tpu.memory_space<vmem_shared>> -> memref<80x128xf32, #tpu.memory_space<vmem_shared>>
      %dma_start3A_44 = arith.constant 0 : i32
      %dma_start3A_45 = tpu.memref_slice %arg10[%add3A_36, %dma_start3A_44] : memref<10240x128xf32, #tpu.memory_space<vmem_shared>> -> memref<80x128xf32, #tpu.memory_space<vmem_shared>>
      tpu.enqueue_dma source(%dma_start3A_45 : memref<80x128xf32, #tpu.memory_space<vmem_shared>>) target(%arg9 : memref<80x128xf32, #tpu.memory_space<vmem>>) target_semaphore(%run_scoped3A : memref<!tpu.dma_semaphore, #tpu.memory_space<semaphore_mem>>)
      %dma_wait3A = arith.constant 0 : i32
      %dma_wait3A_46 = tpu.memref_slice %arg10[%add3A_36, %dma_wait3A] : memref<10240x128xf32, #tpu.memory_space<vmem_shared>> -> memref<80x128xf32, #tpu.memory_space<vmem_shared>>
      %dma_wait3A_47 = arith.constant 0 : i32
      %dma_wait3A_48 = tpu.memref_slice %arg10[%add3A_36, %dma_wait3A_47] : memref<10240x128xf32, #tpu.memory_space<vmem_shared>> -> memref<80x128xf32, #tpu.memory_space<vmem_shared>>
      tpu.wait_dma2 semaphore(%run_scoped3A : memref<!tpu.dma_semaphore, #tpu.memory_space<semaphore_mem>>) src(%dma_wait3A_48 : memref<80x128xf32, #tpu.memory_space<vmem_shared>>) dst(%arg9 : memref<80x128xf32, #tpu.memory_space<vmem>>)
      tpu.yield
    }) : () -> ()
    "tpu.region"() ({
      %run_scoped3A = tpu.sem_alloc : memref<!tpu.dma_semaphore, #tpu.memory_space<semaphore_mem>>
      %dma_start3A = arith.constant 0 : i32
      %dma_start3A_43 = tpu.memref_slice %arg6[%arg0, %add3A_36, %dma_start3A] : memref<2x10240x128xf32, #tpu.memory_space<hbm>> -> memref<1x80x128xf32, #tpu.memory_space<hbm>>
      %dma_start3A_44 = tpu.memref_squeeze %dma_start3A_43 : memref<1x80x128xf32, #tpu.memory_space<hbm>> -> memref<80x128xf32, #tpu.memory_space<hbm>>
      %dma_start3A_45 = arith.constant 0 : i32
      %dma_start3A_46 = tpu.memref_slice %arg6[%arg0, %add3A_36, %dma_start3A_45] : memref<2x10240x128xf32, #tpu.memory_space<hbm>> -> memref<1x80x128xf32, #tpu.memory_space<hbm>>
      %dma_start3A_47 = tpu.memref_squeeze %dma_start3A_46 : memref<1x80x128xf32, #tpu.memory_space<hbm>> -> memref<80x128xf32, #tpu.memory_space<hbm>>
      tpu.enqueue_dma source(%arg9 : memref<80x128xf32, #tpu.memory_space<vmem>>) target(%dma_start3A_47 : memref<80x128xf32, #tpu.memory_space<hbm>>) target_semaphore(%run_scoped3A : memref<!tpu.dma_semaphore, #tpu.memory_space<semaphore_mem>>)
      %dma_wait3A = arith.constant 0 : i32
      %dma_wait3A_48 = tpu.memref_slice %arg6[%arg0, %add3A_36, %dma_wait3A] : memref<2x10240x128xf32, #tpu.memory_space<hbm>> -> memref<1x80x128xf32, #tpu.memory_space<hbm>>
      %dma_wait3A_49 = tpu.memref_squeeze %dma_wait3A_48 : memref<1x80x128xf32, #tpu.memory_space<hbm>> -> memref<80x128xf32, #tpu.memory_space<hbm>>
      %dma_wait3A_50 = arith.constant 0 : i32
      %dma_wait3A_51 = tpu.memref_slice %arg6[%arg0, %add3A_36, %dma_wait3A_50] : memref<2x10240x128xf32, #tpu.memory_space<hbm>> -> memref<1x80x128xf32, #tpu.memory_space<hbm>>
      %dma_wait3A_52 = tpu.memref_squeeze %dma_wait3A_51 : memref<1x80x128xf32, #tpu.memory_space<hbm>> -> memref<80x128xf32, #tpu.memory_space<hbm>>
      tpu.wait_dma2 semaphore(%run_scoped3A : memref<!tpu.dma_semaphore, #tpu.memory_space<semaphore_mem>>) src(%arg9 : memref<80x128xf32, #tpu.memory_space<vmem>>) dst(%dma_wait3A_52 : memref<80x128xf32, #tpu.memory_space<hbm>>)
      tpu.yield
    }) : () -> ()
    %add3A_37 = arith.constant 400 : i32
    %add3A_38 = arith.addi %mul3A_4, %add3A_37 : i32
    "tpu.region"() ({
      %run_scoped3A = tpu.sem_alloc : memref<!tpu.dma_semaphore, #tpu.memory_space<semaphore_mem>>
      %dma_start3A = arith.constant 0 : i32
      %dma_start3A_43 = tpu.memref_slice %arg10[%add3A_38, %dma_start3A] : memref<10240x128xf32, #tpu.memory_space<vmem_shared>> -> memref<80x128xf32, #tpu.memory_space<vmem_shared>>
      %dma_start3A_44 = arith.constant 0 : i32
      %dma_start3A_45 = tpu.memref_slice %arg10[%add3A_38, %dma_start3A_44] : memref<10240x128xf32, #tpu.memory_space<vmem_shared>> -> memref<80x128xf32, #tpu.memory_space<vmem_shared>>
      tpu.enqueue_dma source(%dma_start3A_45 : memref<80x128xf32, #tpu.memory_space<vmem_shared>>) target(%arg9 : memref<80x128xf32, #tpu.memory_space<vmem>>) target_semaphore(%run_scoped3A : memref<!tpu.dma_semaphore, #tpu.memory_space<semaphore_mem>>)
      %dma_wait3A = arith.constant 0 : i32
      %dma_wait3A_46 = tpu.memref_slice %arg10[%add3A_38, %dma_wait3A] : memref<10240x128xf32, #tpu.memory_space<vmem_shared>> -> memref<80x128xf32, #tpu.memory_space<vmem_shared>>
      %dma_wait3A_47 = arith.constant 0 : i32
      %dma_wait3A_48 = tpu.memref_slice %arg10[%add3A_38, %dma_wait3A_47] : memref<10240x128xf32, #tpu.memory_space<vmem_shared>> -> memref<80x128xf32, #tpu.memory_space<vmem_shared>>
      tpu.wait_dma2 semaphore(%run_scoped3A : memref<!tpu.dma_semaphore, #tpu.memory_space<semaphore_mem>>) src(%dma_wait3A_48 : memref<80x128xf32, #tpu.memory_space<vmem_shared>>) dst(%arg9 : memref<80x128xf32, #tpu.memory_space<vmem>>)
      tpu.yield
    }) : () -> ()
    "tpu.region"() ({
      %run_scoped3A = tpu.sem_alloc : memref<!tpu.dma_semaphore, #tpu.memory_space<semaphore_mem>>
      %dma_start3A = arith.constant 0 : i32
      %dma_start3A_43 = tpu.memref_slice %arg6[%arg0, %add3A_38, %dma_start3A] : memref<2x10240x128xf32, #tpu.memory_space<hbm>> -> memref<1x80x128xf32, #tpu.memory_space<hbm>>
      %dma_start3A_44 = tpu.memref_squeeze %dma_start3A_43 : memref<1x80x128xf32, #tpu.memory_space<hbm>> -> memref<80x128xf32, #tpu.memory_space<hbm>>
      %dma_start3A_45 = arith.constant 0 : i32
      %dma_start3A_46 = tpu.memref_slice %arg6[%arg0, %add3A_38, %dma_start3A_45] : memref<2x10240x128xf32, #tpu.memory_space<hbm>> -> memref<1x80x128xf32, #tpu.memory_space<hbm>>
      %dma_start3A_47 = tpu.memref_squeeze %dma_start3A_46 : memref<1x80x128xf32, #tpu.memory_space<hbm>> -> memref<80x128xf32, #tpu.memory_space<hbm>>
      tpu.enqueue_dma source(%arg9 : memref<80x128xf32, #tpu.memory_space<vmem>>) target(%dma_start3A_47 : memref<80x128xf32, #tpu.memory_space<hbm>>) target_semaphore(%run_scoped3A : memref<!tpu.dma_semaphore, #tpu.memory_space<semaphore_mem>>)
      %dma_wait3A = arith.constant 0 : i32
      %dma_wait3A_48 = tpu.memref_slice %arg6[%arg0, %add3A_38, %dma_wait3A] : memref<2x10240x128xf32, #tpu.memory_space<hbm>> -> memref<1x80x128xf32, #tpu.memory_space<hbm>>
      %dma_wait3A_49 = tpu.memref_squeeze %dma_wait3A_48 : memref<1x80x128xf32, #tpu.memory_space<hbm>> -> memref<80x128xf32, #tpu.memory_space<hbm>>
      %dma_wait3A_50 = arith.constant 0 : i32
      %dma_wait3A_51 = tpu.memref_slice %arg6[%arg0, %add3A_38, %dma_wait3A_50] : memref<2x10240x128xf32, #tpu.memory_space<hbm>> -> memref<1x80x128xf32, #tpu.memory_space<hbm>>
      %dma_wait3A_52 = tpu.memref_squeeze %dma_wait3A_51 : memref<1x80x128xf32, #tpu.memory_space<hbm>> -> memref<80x128xf32, #tpu.memory_space<hbm>>
      tpu.wait_dma2 semaphore(%run_scoped3A : memref<!tpu.dma_semaphore, #tpu.memory_space<semaphore_mem>>) src(%arg9 : memref<80x128xf32, #tpu.memory_space<vmem>>) dst(%dma_wait3A_52 : memref<80x128xf32, #tpu.memory_space<hbm>>)
      tpu.yield
    }) : () -> ()
    %add3A_39 = arith.constant 480 : i32
    %add3A_40 = arith.addi %mul3A_4, %add3A_39 : i32
    "tpu.region"() ({
      %run_scoped3A = tpu.sem_alloc : memref<!tpu.dma_semaphore, #tpu.memory_space<semaphore_mem>>
      %dma_start3A = arith.constant 0 : i32
      %dma_start3A_43 = tpu.memref_slice %arg10[%add3A_40, %dma_start3A] : memref<10240x128xf32, #tpu.memory_space<vmem_shared>> -> memref<80x128xf32, #tpu.memory_space<vmem_shared>>
      %dma_start3A_44 = arith.constant 0 : i32
      %dma_start3A_45 = tpu.memref_slice %arg10[%add3A_40, %dma_start3A_44] : memref<10240x128xf32, #tpu.memory_space<vmem_shared>> -> memref<80x128xf32, #tpu.memory_space<vmem_shared>>
      tpu.enqueue_dma source(%dma_start3A_45 : memref<80x128xf32, #tpu.memory_space<vmem_shared>>) target(%arg9 : memref<80x128xf32, #tpu.memory_space<vmem>>) target_semaphore(%run_scoped3A : memref<!tpu.dma_semaphore, #tpu.memory_space<semaphore_mem>>)
      %dma_wait3A = arith.constant 0 : i32
      %dma_wait3A_46 = tpu.memref_slice %arg10[%add3A_40, %dma_wait3A] : memref<10240x128xf32, #tpu.memory_space<vmem_shared>> -> memref<80x128xf32, #tpu.memory_space<vmem_shared>>
      %dma_wait3A_47 = arith.constant 0 : i32
      %dma_wait3A_48 = tpu.memref_slice %arg10[%add3A_40, %dma_wait3A_47] : memref<10240x128xf32, #tpu.memory_space<vmem_shared>> -> memref<80x128xf32, #tpu.memory_space<vmem_shared>>
      tpu.wait_dma2 semaphore(%run_scoped3A : memref<!tpu.dma_semaphore, #tpu.memory_space<semaphore_mem>>) src(%dma_wait3A_48 : memref<80x128xf32, #tpu.memory_space<vmem_shared>>) dst(%arg9 : memref<80x128xf32, #tpu.memory_space<vmem>>)
      tpu.yield
    }) : () -> ()
    "tpu.region"() ({
      %run_scoped3A = tpu.sem_alloc : memref<!tpu.dma_semaphore, #tpu.memory_space<semaphore_mem>>
      %dma_start3A = arith.constant 0 : i32
      %dma_start3A_43 = tpu.memref_slice %arg6[%arg0, %add3A_40, %dma_start3A] : memref<2x10240x128xf32, #tpu.memory_space<hbm>> -> memref<1x80x128xf32, #tpu.memory_space<hbm>>
      %dma_start3A_44 = tpu.memref_squeeze %dma_start3A_43 : memref<1x80x128xf32, #tpu.memory_space<hbm>> -> memref<80x128xf32, #tpu.memory_space<hbm>>
      %dma_start3A_45 = arith.constant 0 : i32
      %dma_start3A_46 = tpu.memref_slice %arg6[%arg0, %add3A_40, %dma_start3A_45] : memref<2x10240x128xf32, #tpu.memory_space<hbm>> -> memref<1x80x128xf32, #tpu.memory_space<hbm>>
      %dma_start3A_47 = tpu.memref_squeeze %dma_start3A_46 : memref<1x80x128xf32, #tpu.memory_space<hbm>> -> memref<80x128xf32, #tpu.memory_space<hbm>>
      tpu.enqueue_dma source(%arg9 : memref<80x128xf32, #tpu.memory_space<vmem>>) target(%dma_start3A_47 : memref<80x128xf32, #tpu.memory_space<hbm>>) target_semaphore(%run_scoped3A : memref<!tpu.dma_semaphore, #tpu.memory_space<semaphore_mem>>)
      %dma_wait3A = arith.constant 0 : i32
      %dma_wait3A_48 = tpu.memref_slice %arg6[%arg0, %add3A_40, %dma_wait3A] : memref<2x10240x128xf32, #tpu.memory_space<hbm>> -> memref<1x80x128xf32, #tpu.memory_space<hbm>>
      %dma_wait3A_49 = tpu.memref_squeeze %dma_wait3A_48 : memref<1x80x128xf32, #tpu.memory_space<hbm>> -> memref<80x128xf32, #tpu.memory_space<hbm>>
      %dma_wait3A_50 = arith.constant 0 : i32
      %dma_wait3A_51 = tpu.memref_slice %arg6[%arg0, %add3A_40, %dma_wait3A_50] : memref<2x10240x128xf32, #tpu.memory_space<hbm>> -> memref<1x80x128xf32, #tpu.memory_space<hbm>>
      %dma_wait3A_52 = tpu.memref_squeeze %dma_wait3A_51 : memref<1x80x128xf32, #tpu.memory_space<hbm>> -> memref<80x128xf32, #tpu.memory_space<hbm>>
      tpu.wait_dma2 semaphore(%run_scoped3A : memref<!tpu.dma_semaphore, #tpu.memory_space<semaphore_mem>>) src(%arg9 : memref<80x128xf32, #tpu.memory_space<vmem>>) dst(%dma_wait3A_52 : memref<80x128xf32, #tpu.memory_space<hbm>>)
      tpu.yield
    }) : () -> ()
    %add3A_41 = arith.constant 560 : i32
    %add3A_42 = arith.addi %mul3A_4, %add3A_41 : i32
    "tpu.region"() ({
      %run_scoped3A = tpu.sem_alloc : memref<!tpu.dma_semaphore, #tpu.memory_space<semaphore_mem>>
      %dma_start3A = arith.constant 0 : i32
      %dma_start3A_43 = tpu.memref_slice %arg10[%add3A_42, %dma_start3A] : memref<10240x128xf32, #tpu.memory_space<vmem_shared>> -> memref<80x128xf32, #tpu.memory_space<vmem_shared>>
      %dma_start3A_44 = arith.constant 0 : i32
      %dma_start3A_45 = tpu.memref_slice %arg10[%add3A_42, %dma_start3A_44] : memref<10240x128xf32, #tpu.memory_space<vmem_shared>> -> memref<80x128xf32, #tpu.memory_space<vmem_shared>>
      tpu.enqueue_dma source(%dma_start3A_45 : memref<80x128xf32, #tpu.memory_space<vmem_shared>>) target(%arg9 : memref<80x128xf32, #tpu.memory_space<vmem>>) target_semaphore(%run_scoped3A : memref<!tpu.dma_semaphore, #tpu.memory_space<semaphore_mem>>)
      %dma_wait3A = arith.constant 0 : i32
      %dma_wait3A_46 = tpu.memref_slice %arg10[%add3A_42, %dma_wait3A] : memref<10240x128xf32, #tpu.memory_space<vmem_shared>> -> memref<80x128xf32, #tpu.memory_space<vmem_shared>>
      %dma_wait3A_47 = arith.constant 0 : i32
      %dma_wait3A_48 = tpu.memref_slice %arg10[%add3A_42, %dma_wait3A_47] : memref<10240x128xf32, #tpu.memory_space<vmem_shared>> -> memref<80x128xf32, #tpu.memory_space<vmem_shared>>
      tpu.wait_dma2 semaphore(%run_scoped3A : memref<!tpu.dma_semaphore, #tpu.memory_space<semaphore_mem>>) src(%dma_wait3A_48 : memref<80x128xf32, #tpu.memory_space<vmem_shared>>) dst(%arg9 : memref<80x128xf32, #tpu.memory_space<vmem>>)
      tpu.yield
    }) : () -> ()
    "tpu.region"() ({
      %run_scoped3A = tpu.sem_alloc : memref<!tpu.dma_semaphore, #tpu.memory_space<semaphore_mem>>
      %dma_start3A = arith.constant 0 : i32
      %dma_start3A_43 = tpu.memref_slice %arg6[%arg0, %add3A_42, %dma_start3A] : memref<2x10240x128xf32, #tpu.memory_space<hbm>> -> memref<1x80x128xf32, #tpu.memory_space<hbm>>
      %dma_start3A_44 = tpu.memref_squeeze %dma_start3A_43 : memref<1x80x128xf32, #tpu.memory_space<hbm>> -> memref<80x128xf32, #tpu.memory_space<hbm>>
      %dma_start3A_45 = arith.constant 0 : i32
      %dma_start3A_46 = tpu.memref_slice %arg6[%arg0, %add3A_42, %dma_start3A_45] : memref<2x10240x128xf32, #tpu.memory_space<hbm>> -> memref<1x80x128xf32, #tpu.memory_space<hbm>>
      %dma_start3A_47 = tpu.memref_squeeze %dma_start3A_46 : memref<1x80x128xf32, #tpu.memory_space<hbm>> -> memref<80x128xf32, #tpu.memory_space<hbm>>
      tpu.enqueue_dma source(%arg9 : memref<80x128xf32, #tpu.memory_space<vmem>>) target(%dma_start3A_47 : memref<80x128xf32, #tpu.memory_space<hbm>>) target_semaphore(%run_scoped3A : memref<!tpu.dma_semaphore, #tpu.memory_space<semaphore_mem>>)
      %dma_wait3A = arith.constant 0 : i32
      %dma_wait3A_48 = tpu.memref_slice %arg6[%arg0, %add3A_42, %dma_wait3A] : memref<2x10240x128xf32, #tpu.memory_space<hbm>> -> memref<1x80x128xf32, #tpu.memory_space<hbm>>
      %dma_wait3A_49 = tpu.memref_squeeze %dma_wait3A_48 : memref<1x80x128xf32, #tpu.memory_space<hbm>> -> memref<80x128xf32, #tpu.memory_space<hbm>>
      %dma_wait3A_50 = arith.constant 0 : i32
      %dma_wait3A_51 = tpu.memref_slice %arg6[%arg0, %add3A_42, %dma_wait3A_50] : memref<2x10240x128xf32, #tpu.memory_space<hbm>> -> memref<1x80x128xf32, #tpu.memory_space<hbm>>
      %dma_wait3A_52 = tpu.memref_squeeze %dma_wait3A_51 : memref<1x80x128xf32, #tpu.memory_space<hbm>> -> memref<80x128xf32, #tpu.memory_space<hbm>>
      tpu.wait_dma2 semaphore(%run_scoped3A : memref<!tpu.dma_semaphore, #tpu.memory_space<semaphore_mem>>) src(%arg9 : memref<80x128xf32, #tpu.memory_space<vmem>>) dst(%dma_wait3A_52 : memref<80x128xf32, #tpu.memory_space<hbm>>)
      tpu.yield
    }) : () -> ()
    return
  }
}

#map = affine_map<(d0, d1) -> (0)>
#map1 = affine_map<(d0, d1) -> (0, 0)>
#map2 = affine_map<(d0, d1) -> (0, 0, 0)>
module attributes {stable_mosaic.version = 14 : i64} {
  func.func @sc_seg_sum_deg(%arg0: i32, %arg1: i32, %arg2: memref<320000xi32, #tpu.memory_space<hbm>>, %arg3: memref<320000xi32, #tpu.memory_space<hbm>>, %arg4: memref<10000x128xf32, #tpu.memory_space<hbm>>, %arg5: memref<80x128xf32, #tpu.memory_space<hbm>>, %arg6: memref<10240xf32, #tpu.memory_space<hbm>>, %arg7: memref<2x10240x128xf32, #tpu.memory_space<hbm>>, %arg8: memref<2x16x10240xf32, #tpu.memory_space<hbm>>, %arg9: memref<80xi32, #tpu.memory_space<vmem>>, %arg10: memref<80xi32, #tpu.memory_space<vmem>>, %arg11: memref<80x128xf32, #tpu.memory_space<vmem>>, %arg12: memref<10240xf32, #tpu.memory_space<vmem>>, %arg13: memref<10240x128xf32, #tpu.memory_space<vmem_shared>>, %arg14: memref<!tpu.dma_semaphore, #tpu.memory_space<semaphore_mem>>) attributes {dimension_semantics = [#tpu.dimension_semantics<core_parallel>, #tpu.dimension_semantics<subcore_parallel>], iteration_bounds = array<i64: 2, 16>, scalar_prefetch = 0 : i64, scratch_operands = 6 : i64, tpu.core_type = #tpu.core_type<sc_vector_subcore>, window_params = [{transform_indices = #map}, {transform_indices = #map}, {transform_indices = #map1}, {transform_indices = #map1}, {transform_indices = #map}, {transform_indices = #map2}, {transform_indices = #map2}]} {
    %mul3A = arith.constant 16 : i32
    %mul3A_0 = arith.muli %arg0, %mul3A : i32
    %add3A = arith.addi %mul3A_0, %arg1 : i32
    %mul3A_1 = arith.constant 10000 : i32
    %mul3A_2 = arith.muli %add3A, %mul3A_1 : i32
    %mul3A_3 = arith.constant 640 : i32
    %mul3A_4 = arith.muli %arg1, %mul3A_3 : i32
    "tpu.region"() ({
      %run_scoped3A = tpu.sem_alloc : memref<!tpu.dma_semaphore, #tpu.memory_space<semaphore_mem>>
      tpu.enqueue_dma source(%arg5 : memref<80x128xf32, #tpu.memory_space<hbm>>) target(%arg11 : memref<80x128xf32, #tpu.memory_space<vmem>>) target_semaphore(%run_scoped3A : memref<!tpu.dma_semaphore, #tpu.memory_space<semaphore_mem>>)
      tpu.wait_dma2 semaphore(%run_scoped3A : memref<!tpu.dma_semaphore, #tpu.memory_space<semaphore_mem>>) src(%arg5 : memref<80x128xf32, #tpu.memory_space<hbm>>) dst(%arg11 : memref<80x128xf32, #tpu.memory_space<vmem>>)
      tpu.yield
    }) : () -> ()
    "tpu.region"() ({
      %run_scoped3A = tpu.sem_alloc : memref<!tpu.dma_semaphore, #tpu.memory_space<semaphore_mem>>
      tpu.enqueue_dma source(%arg6 : memref<10240xf32, #tpu.memory_space<hbm>>) target(%arg12 : memref<10240xf32, #tpu.memory_space<vmem>>) target_semaphore(%run_scoped3A : memref<!tpu.dma_semaphore, #tpu.memory_space<semaphore_mem>>)
      tpu.wait_dma2 semaphore(%run_scoped3A : memref<!tpu.dma_semaphore, #tpu.memory_space<semaphore_mem>>) src(%arg6 : memref<10240xf32, #tpu.memory_space<hbm>>) dst(%arg12 : memref<10240xf32, #tpu.memory_space<vmem>>)
      tpu.yield
    }) : () -> ()
    %add3A_5 = arith.constant 0 : i32
    %add3A_6 = arith.addi %mul3A_4, %add3A_5 : i32
    "tpu.region"() ({
      %run_scoped3A = tpu.sem_alloc : memref<!tpu.dma_semaphore, #tpu.memory_space<semaphore_mem>>
      %dma_start3A = arith.constant 0 : i32
      %dma_start3A_44 = tpu.memref_slice %arg13[%add3A_6, %dma_start3A] : memref<10240x128xf32, #tpu.memory_space<vmem_shared>> -> memref<80x128xf32, #tpu.memory_space<vmem_shared>>
      %dma_start3A_45 = arith.constant 0 : i32
      %dma_start3A_46 = tpu.memref_slice %arg13[%add3A_6, %dma_start3A_45] : memref<10240x128xf32, #tpu.memory_space<vmem_shared>> -> memref<80x128xf32, #tpu.memory_space<vmem_shared>>
      tpu.enqueue_dma source(%arg11 : memref<80x128xf32, #tpu.memory_space<vmem>>) target(%dma_start3A_46 : memref<80x128xf32, #tpu.memory_space<vmem_shared>>) target_semaphore(%run_scoped3A : memref<!tpu.dma_semaphore, #tpu.memory_space<semaphore_mem>>)
      %dma_wait3A = arith.constant 0 : i32
      %dma_wait3A_47 = tpu.memref_slice %arg13[%add3A_6, %dma_wait3A] : memref<10240x128xf32, #tpu.memory_space<vmem_shared>> -> memref<80x128xf32, #tpu.memory_space<vmem_shared>>
      %dma_wait3A_48 = arith.constant 0 : i32
      %dma_wait3A_49 = tpu.memref_slice %arg13[%add3A_6, %dma_wait3A_48] : memref<10240x128xf32, #tpu.memory_space<vmem_shared>> -> memref<80x128xf32, #tpu.memory_space<vmem_shared>>
      tpu.wait_dma2 semaphore(%run_scoped3A : memref<!tpu.dma_semaphore, #tpu.memory_space<semaphore_mem>>) src(%arg11 : memref<80x128xf32, #tpu.memory_space<vmem>>) dst(%dma_wait3A_49 : memref<80x128xf32, #tpu.memory_space<vmem_shared>>)
      tpu.yield
    }) : () -> ()
    %add3A_7 = arith.constant 80 : i32
    %add3A_8 = arith.addi %mul3A_4, %add3A_7 : i32
    "tpu.region"() ({
      %run_scoped3A = tpu.sem_alloc : memref<!tpu.dma_semaphore, #tpu.memory_space<semaphore_mem>>
      %dma_start3A = arith.constant 0 : i32
      %dma_start3A_44 = tpu.memref_slice %arg13[%add3A_8, %dma_start3A] : memref<10240x128xf32, #tpu.memory_space<vmem_shared>> -> memref<80x128xf32, #tpu.memory_space<vmem_shared>>
      %dma_start3A_45 = arith.constant 0 : i32
      %dma_start3A_46 = tpu.memref_slice %arg13[%add3A_8, %dma_start3A_45] : memref<10240x128xf32, #tpu.memory_space<vmem_shared>> -> memref<80x128xf32, #tpu.memory_space<vmem_shared>>
      tpu.enqueue_dma source(%arg11 : memref<80x128xf32, #tpu.memory_space<vmem>>) target(%dma_start3A_46 : memref<80x128xf32, #tpu.memory_space<vmem_shared>>) target_semaphore(%run_scoped3A : memref<!tpu.dma_semaphore, #tpu.memory_space<semaphore_mem>>)
      %dma_wait3A = arith.constant 0 : i32
      %dma_wait3A_47 = tpu.memref_slice %arg13[%add3A_8, %dma_wait3A] : memref<10240x128xf32, #tpu.memory_space<vmem_shared>> -> memref<80x128xf32, #tpu.memory_space<vmem_shared>>
      %dma_wait3A_48 = arith.constant 0 : i32
      %dma_wait3A_49 = tpu.memref_slice %arg13[%add3A_8, %dma_wait3A_48] : memref<10240x128xf32, #tpu.memory_space<vmem_shared>> -> memref<80x128xf32, #tpu.memory_space<vmem_shared>>
      tpu.wait_dma2 semaphore(%run_scoped3A : memref<!tpu.dma_semaphore, #tpu.memory_space<semaphore_mem>>) src(%arg11 : memref<80x128xf32, #tpu.memory_space<vmem>>) dst(%dma_wait3A_49 : memref<80x128xf32, #tpu.memory_space<vmem_shared>>)
      tpu.yield
    }) : () -> ()
    %add3A_9 = arith.constant 160 : i32
    %add3A_10 = arith.addi %mul3A_4, %add3A_9 : i32
    "tpu.region"() ({
      %run_scoped3A = tpu.sem_alloc : memref<!tpu.dma_semaphore, #tpu.memory_space<semaphore_mem>>
      %dma_start3A = arith.constant 0 : i32
      %dma_start3A_44 = tpu.memref_slice %arg13[%add3A_10, %dma_start3A] : memref<10240x128xf32, #tpu.memory_space<vmem_shared>> -> memref<80x128xf32, #tpu.memory_space<vmem_shared>>
      %dma_start3A_45 = arith.constant 0 : i32
      %dma_start3A_46 = tpu.memref_slice %arg13[%add3A_10, %dma_start3A_45] : memref<10240x128xf32, #tpu.memory_space<vmem_shared>> -> memref<80x128xf32, #tpu.memory_space<vmem_shared>>
      tpu.enqueue_dma source(%arg11 : memref<80x128xf32, #tpu.memory_space<vmem>>) target(%dma_start3A_46 : memref<80x128xf32, #tpu.memory_space<vmem_shared>>) target_semaphore(%run_scoped3A : memref<!tpu.dma_semaphore, #tpu.memory_space<semaphore_mem>>)
      %dma_wait3A = arith.constant 0 : i32
      %dma_wait3A_47 = tpu.memref_slice %arg13[%add3A_10, %dma_wait3A] : memref<10240x128xf32, #tpu.memory_space<vmem_shared>> -> memref<80x128xf32, #tpu.memory_space<vmem_shared>>
      %dma_wait3A_48 = arith.constant 0 : i32
      %dma_wait3A_49 = tpu.memref_slice %arg13[%add3A_10, %dma_wait3A_48] : memref<10240x128xf32, #tpu.memory_space<vmem_shared>> -> memref<80x128xf32, #tpu.memory_space<vmem_shared>>
      tpu.wait_dma2 semaphore(%run_scoped3A : memref<!tpu.dma_semaphore, #tpu.memory_space<semaphore_mem>>) src(%arg11 : memref<80x128xf32, #tpu.memory_space<vmem>>) dst(%dma_wait3A_49 : memref<80x128xf32, #tpu.memory_space<vmem_shared>>)
      tpu.yield
    }) : () -> ()
    %add3A_11 = arith.constant 240 : i32
    %add3A_12 = arith.addi %mul3A_4, %add3A_11 : i32
    "tpu.region"() ({
      %run_scoped3A = tpu.sem_alloc : memref<!tpu.dma_semaphore, #tpu.memory_space<semaphore_mem>>
      %dma_start3A = arith.constant 0 : i32
      %dma_start3A_44 = tpu.memref_slice %arg13[%add3A_12, %dma_start3A] : memref<10240x128xf32, #tpu.memory_space<vmem_shared>> -> memref<80x128xf32, #tpu.memory_space<vmem_shared>>
      %dma_start3A_45 = arith.constant 0 : i32
      %dma_start3A_46 = tpu.memref_slice %arg13[%add3A_12, %dma_start3A_45] : memref<10240x128xf32, #tpu.memory_space<vmem_shared>> -> memref<80x128xf32, #tpu.memory_space<vmem_shared>>
      tpu.enqueue_dma source(%arg11 : memref<80x128xf32, #tpu.memory_space<vmem>>) target(%dma_start3A_46 : memref<80x128xf32, #tpu.memory_space<vmem_shared>>) target_semaphore(%run_scoped3A : memref<!tpu.dma_semaphore, #tpu.memory_space<semaphore_mem>>)
      %dma_wait3A = arith.constant 0 : i32
      %dma_wait3A_47 = tpu.memref_slice %arg13[%add3A_12, %dma_wait3A] : memref<10240x128xf32, #tpu.memory_space<vmem_shared>> -> memref<80x128xf32, #tpu.memory_space<vmem_shared>>
      %dma_wait3A_48 = arith.constant 0 : i32
      %dma_wait3A_49 = tpu.memref_slice %arg13[%add3A_12, %dma_wait3A_48] : memref<10240x128xf32, #tpu.memory_space<vmem_shared>> -> memref<80x128xf32, #tpu.memory_space<vmem_shared>>
      tpu.wait_dma2 semaphore(%run_scoped3A : memref<!tpu.dma_semaphore, #tpu.memory_space<semaphore_mem>>) src(%arg11 : memref<80x128xf32, #tpu.memory_space<vmem>>) dst(%dma_wait3A_49 : memref<80x128xf32, #tpu.memory_space<vmem_shared>>)
      tpu.yield
    }) : () -> ()
    %add3A_13 = arith.constant 320 : i32
    %add3A_14 = arith.addi %mul3A_4, %add3A_13 : i32
    "tpu.region"() ({
      %run_scoped3A = tpu.sem_alloc : memref<!tpu.dma_semaphore, #tpu.memory_space<semaphore_mem>>
      %dma_start3A = arith.constant 0 : i32
      %dma_start3A_44 = tpu.memref_slice %arg13[%add3A_14, %dma_start3A] : memref<10240x128xf32, #tpu.memory_space<vmem_shared>> -> memref<80x128xf32, #tpu.memory_space<vmem_shared>>
      %dma_start3A_45 = arith.constant 0 : i32
      %dma_start3A_46 = tpu.memref_slice %arg13[%add3A_14, %dma_start3A_45] : memref<10240x128xf32, #tpu.memory_space<vmem_shared>> -> memref<80x128xf32, #tpu.memory_space<vmem_shared>>
      tpu.enqueue_dma source(%arg11 : memref<80x128xf32, #tpu.memory_space<vmem>>) target(%dma_start3A_46 : memref<80x128xf32, #tpu.memory_space<vmem_shared>>) target_semaphore(%run_scoped3A : memref<!tpu.dma_semaphore, #tpu.memory_space<semaphore_mem>>)
      %dma_wait3A = arith.constant 0 : i32
      %dma_wait3A_47 = tpu.memref_slice %arg13[%add3A_14, %dma_wait3A] : memref<10240x128xf32, #tpu.memory_space<vmem_shared>> -> memref<80x128xf32, #tpu.memory_space<vmem_shared>>
      %dma_wait3A_48 = arith.constant 0 : i32
      %dma_wait3A_49 = tpu.memref_slice %arg13[%add3A_14, %dma_wait3A_48] : memref<10240x128xf32, #tpu.memory_space<vmem_shared>> -> memref<80x128xf32, #tpu.memory_space<vmem_shared>>
      tpu.wait_dma2 semaphore(%run_scoped3A : memref<!tpu.dma_semaphore, #tpu.memory_space<semaphore_mem>>) src(%arg11 : memref<80x128xf32, #tpu.memory_space<vmem>>) dst(%dma_wait3A_49 : memref<80x128xf32, #tpu.memory_space<vmem_shared>>)
      tpu.yield
    }) : () -> ()
    %add3A_15 = arith.constant 400 : i32
    %add3A_16 = arith.addi %mul3A_4, %add3A_15 : i32
    "tpu.region"() ({
      %run_scoped3A = tpu.sem_alloc : memref<!tpu.dma_semaphore, #tpu.memory_space<semaphore_mem>>
      %dma_start3A = arith.constant 0 : i32
      %dma_start3A_44 = tpu.memref_slice %arg13[%add3A_16, %dma_start3A] : memref<10240x128xf32, #tpu.memory_space<vmem_shared>> -> memref<80x128xf32, #tpu.memory_space<vmem_shared>>
      %dma_start3A_45 = arith.constant 0 : i32
      %dma_start3A_46 = tpu.memref_slice %arg13[%add3A_16, %dma_start3A_45] : memref<10240x128xf32, #tpu.memory_space<vmem_shared>> -> memref<80x128xf32, #tpu.memory_space<vmem_shared>>
      tpu.enqueue_dma source(%arg11 : memref<80x128xf32, #tpu.memory_space<vmem>>) target(%dma_start3A_46 : memref<80x128xf32, #tpu.memory_space<vmem_shared>>) target_semaphore(%run_scoped3A : memref<!tpu.dma_semaphore, #tpu.memory_space<semaphore_mem>>)
      %dma_wait3A = arith.constant 0 : i32
      %dma_wait3A_47 = tpu.memref_slice %arg13[%add3A_16, %dma_wait3A] : memref<10240x128xf32, #tpu.memory_space<vmem_shared>> -> memref<80x128xf32, #tpu.memory_space<vmem_shared>>
      %dma_wait3A_48 = arith.constant 0 : i32
      %dma_wait3A_49 = tpu.memref_slice %arg13[%add3A_16, %dma_wait3A_48] : memref<10240x128xf32, #tpu.memory_space<vmem_shared>> -> memref<80x128xf32, #tpu.memory_space<vmem_shared>>
      tpu.wait_dma2 semaphore(%run_scoped3A : memref<!tpu.dma_semaphore, #tpu.memory_space<semaphore_mem>>) src(%arg11 : memref<80x128xf32, #tpu.memory_space<vmem>>) dst(%dma_wait3A_49 : memref<80x128xf32, #tpu.memory_space<vmem_shared>>)
      tpu.yield
    }) : () -> ()
    %add3A_17 = arith.constant 480 : i32
    %add3A_18 = arith.addi %mul3A_4, %add3A_17 : i32
    "tpu.region"() ({
      %run_scoped3A = tpu.sem_alloc : memref<!tpu.dma_semaphore, #tpu.memory_space<semaphore_mem>>
      %dma_start3A = arith.constant 0 : i32
      %dma_start3A_44 = tpu.memref_slice %arg13[%add3A_18, %dma_start3A] : memref<10240x128xf32, #tpu.memory_space<vmem_shared>> -> memref<80x128xf32, #tpu.memory_space<vmem_shared>>
      %dma_start3A_45 = arith.constant 0 : i32
      %dma_start3A_46 = tpu.memref_slice %arg13[%add3A_18, %dma_start3A_45] : memref<10240x128xf32, #tpu.memory_space<vmem_shared>> -> memref<80x128xf32, #tpu.memory_space<vmem_shared>>
      tpu.enqueue_dma source(%arg11 : memref<80x128xf32, #tpu.memory_space<vmem>>) target(%dma_start3A_46 : memref<80x128xf32, #tpu.memory_space<vmem_shared>>) target_semaphore(%run_scoped3A : memref<!tpu.dma_semaphore, #tpu.memory_space<semaphore_mem>>)
      %dma_wait3A = arith.constant 0 : i32
      %dma_wait3A_47 = tpu.memref_slice %arg13[%add3A_18, %dma_wait3A] : memref<10240x128xf32, #tpu.memory_space<vmem_shared>> -> memref<80x128xf32, #tpu.memory_space<vmem_shared>>
      %dma_wait3A_48 = arith.constant 0 : i32
      %dma_wait3A_49 = tpu.memref_slice %arg13[%add3A_18, %dma_wait3A_48] : memref<10240x128xf32, #tpu.memory_space<vmem_shared>> -> memref<80x128xf32, #tpu.memory_space<vmem_shared>>
      tpu.wait_dma2 semaphore(%run_scoped3A : memref<!tpu.dma_semaphore, #tpu.memory_space<semaphore_mem>>) src(%arg11 : memref<80x128xf32, #tpu.memory_space<vmem>>) dst(%dma_wait3A_49 : memref<80x128xf32, #tpu.memory_space<vmem_shared>>)
      tpu.yield
    }) : () -> ()
    %add3A_19 = arith.constant 560 : i32
    %add3A_20 = arith.addi %mul3A_4, %add3A_19 : i32
    "tpu.region"() ({
      %run_scoped3A = tpu.sem_alloc : memref<!tpu.dma_semaphore, #tpu.memory_space<semaphore_mem>>
      %dma_start3A = arith.constant 0 : i32
      %dma_start3A_44 = tpu.memref_slice %arg13[%add3A_20, %dma_start3A] : memref<10240x128xf32, #tpu.memory_space<vmem_shared>> -> memref<80x128xf32, #tpu.memory_space<vmem_shared>>
      %dma_start3A_45 = arith.constant 0 : i32
      %dma_start3A_46 = tpu.memref_slice %arg13[%add3A_20, %dma_start3A_45] : memref<10240x128xf32, #tpu.memory_space<vmem_shared>> -> memref<80x128xf32, #tpu.memory_space<vmem_shared>>
      tpu.enqueue_dma source(%arg11 : memref<80x128xf32, #tpu.memory_space<vmem>>) target(%dma_start3A_46 : memref<80x128xf32, #tpu.memory_space<vmem_shared>>) target_semaphore(%run_scoped3A : memref<!tpu.dma_semaphore, #tpu.memory_space<semaphore_mem>>)
      %dma_wait3A = arith.constant 0 : i32
      %dma_wait3A_47 = tpu.memref_slice %arg13[%add3A_20, %dma_wait3A] : memref<10240x128xf32, #tpu.memory_space<vmem_shared>> -> memref<80x128xf32, #tpu.memory_space<vmem_shared>>
      %dma_wait3A_48 = arith.constant 0 : i32
      %dma_wait3A_49 = tpu.memref_slice %arg13[%add3A_20, %dma_wait3A_48] : memref<10240x128xf32, #tpu.memory_space<vmem_shared>> -> memref<80x128xf32, #tpu.memory_space<vmem_shared>>
      tpu.wait_dma2 semaphore(%run_scoped3A : memref<!tpu.dma_semaphore, #tpu.memory_space<semaphore_mem>>) src(%arg11 : memref<80x128xf32, #tpu.memory_space<vmem>>) dst(%dma_wait3A_49 : memref<80x128xf32, #tpu.memory_space<vmem_shared>>)
      tpu.yield
    }) : () -> ()
    %barrier3A = arith.constant 0 : index
    tpu.barrier barrier_id(%barrier3A)
    %broadcast_in_dim3A = arith.constant 1.000000e+00 : f32
    %broadcast_in_dim3A_21 = vector.broadcast %broadcast_in_dim3A : f32 to vector<16xf32>
    %scan3A = arith.constant 0 : i32
    %scan3A_22 = arith.constant 0 : i32
    %scan3A_23 = arith.constant 125 : i32
    %scan3A_24 = arith.addi %scan3A_22, %scan3A_23 : i32
    %scan3A_25 = arith.constant 1 : i32
    scf.for %scan3A_44 = %scan3A_22 to %scan3A_24 step %scan3A_25  : i32 {
      %mul3A_45 = arith.constant 80 : i32
      %mul3A_46 = arith.muli %scan3A_44, %mul3A_45 : i32
      %add3A_47 = arith.addi %mul3A_2, %mul3A_46 : i32
      "tpu.region"() ({
        %run_scoped3A = tpu.sem_alloc : memref<!tpu.dma_semaphore, #tpu.memory_space<semaphore_mem>>
        %dma_start3A_61 = tpu.memref_slice %arg2[%add3A_47] : memref<320000xi32, #tpu.memory_space<hbm>> -> memref<80xi32, #tpu.memory_space<hbm>>
        %dma_start3A_62 = tpu.memref_slice %arg2[%add3A_47] : memref<320000xi32, #tpu.memory_space<hbm>> -> memref<80xi32, #tpu.memory_space<hbm>>
        tpu.enqueue_dma source(%dma_start3A_62 : memref<80xi32, #tpu.memory_space<hbm>>) target(%arg9 : memref<80xi32, #tpu.memory_space<vmem>>) target_semaphore(%run_scoped3A : memref<!tpu.dma_semaphore, #tpu.memory_space<semaphore_mem>>)
        %dma_wait3A_63 = tpu.memref_slice %arg2[%add3A_47] : memref<320000xi32, #tpu.memory_space<hbm>> -> memref<80xi32, #tpu.memory_space<hbm>>
        %dma_wait3A_64 = tpu.memref_slice %arg2[%add3A_47] : memref<320000xi32, #tpu.memory_space<hbm>> -> memref<80xi32, #tpu.memory_space<hbm>>
        tpu.wait_dma2 semaphore(%run_scoped3A : memref<!tpu.dma_semaphore, #tpu.memory_space<semaphore_mem>>) src(%dma_wait3A_64 : memref<80xi32, #tpu.memory_space<hbm>>) dst(%arg9 : memref<80xi32, #tpu.memory_space<vmem>>)
        tpu.yield
      }) : () -> ()
      "tpu.region"() ({
        %run_scoped3A = tpu.sem_alloc : memref<!tpu.dma_semaphore, #tpu.memory_space<semaphore_mem>>
        %dma_start3A_61 = tpu.memref_slice %arg3[%add3A_47] : memref<320000xi32, #tpu.memory_space<hbm>> -> memref<80xi32, #tpu.memory_space<hbm>>
        %dma_start3A_62 = tpu.memref_slice %arg3[%add3A_47] : memref<320000xi32, #tpu.memory_space<hbm>> -> memref<80xi32, #tpu.memory_space<hbm>>
        tpu.enqueue_dma source(%dma_start3A_62 : memref<80xi32, #tpu.memory_space<hbm>>) target(%arg10 : memref<80xi32, #tpu.memory_space<vmem>>) target_semaphore(%run_scoped3A : memref<!tpu.dma_semaphore, #tpu.memory_space<semaphore_mem>>)
        %dma_wait3A_63 = tpu.memref_slice %arg3[%add3A_47] : memref<320000xi32, #tpu.memory_space<hbm>> -> memref<80xi32, #tpu.memory_space<hbm>>
        %dma_wait3A_64 = tpu.memref_slice %arg3[%add3A_47] : memref<320000xi32, #tpu.memory_space<hbm>> -> memref<80xi32, #tpu.memory_space<hbm>>
        tpu.wait_dma2 semaphore(%run_scoped3A : memref<!tpu.dma_semaphore, #tpu.memory_space<semaphore_mem>>) src(%dma_wait3A_64 : memref<80xi32, #tpu.memory_space<hbm>>) dst(%arg10 : memref<80xi32, #tpu.memory_space<vmem>>)
        tpu.yield
      }) : () -> ()
      %dma_start3A = arith.constant 0 : i32
      %dma_start3A_48 = arith.constant 0 : i32
      %dma_start3A_49 = tpu.memref_slice %arg4[%dma_start3A, %dma_start3A_48] : memref<10000x128xf32, #tpu.memory_space<hbm>> -> memref<10000x128xf32, #tpu.memory_space<hbm>>
      tpu.enqueue_indirect_dma source(%dma_start3A_49 : memref<10000x128xf32, #tpu.memory_space<hbm>>) target(%arg11 : memref<80x128xf32, #tpu.memory_space<vmem>>) offsets(%arg9 : memref<80xi32, #tpu.memory_space<vmem>>) semaphore(%arg14 : memref<!tpu.dma_semaphore, #tpu.memory_space<semaphore_mem>>)
      %dma_wait3A = arith.constant 0 : i32
      %dma_wait3A_50 = arith.constant 0 : i32
      %dma_wait3A_51 = tpu.memref_slice %arg4[%dma_wait3A, %dma_wait3A_50] : memref<10000x128xf32, #tpu.memory_space<hbm>> -> memref<10000x128xf32, #tpu.memory_space<hbm>>
      tpu.wait_indirect_dma semaphore(%arg14 : memref<!tpu.dma_semaphore, #tpu.memory_space<semaphore_mem>>) src(%dma_wait3A_51 : memref<10000x128xf32, #tpu.memory_space<hbm>>) dst(%arg11 : memref<80x128xf32, #tpu.memory_space<vmem>>)
      "tpu.region"() ({
        %run_scoped3A = tpu.sem_alloc : memref<!tpu.dma_semaphore, #tpu.memory_space<semaphore_mem>>
        %dma_start3A_61 = arith.constant 0 : i32
        %dma_start3A_62 = arith.constant 0 : i32
        %dma_start3A_63 = tpu.memref_slice %arg13[%dma_start3A_61, %dma_start3A_62] : memref<10240x128xf32, #tpu.memory_space<vmem_shared>> -> memref<10240x128xf32, #tpu.memory_space<vmem_shared>>
        tpu.enqueue_indirect_dma source(%arg11 : memref<80x128xf32, #tpu.memory_space<vmem>>) target(%dma_start3A_63 : memref<10240x128xf32, #tpu.memory_space<vmem_shared>>) offsets(%arg10 : memref<80xi32, #tpu.memory_space<vmem>>) semaphore(%run_scoped3A : memref<!tpu.dma_semaphore, #tpu.memory_space<semaphore_mem>>) {add = true}
        %dma_wait3A_64 = arith.constant 0 : i32
        %dma_wait3A_65 = arith.constant 0 : i32
        %dma_wait3A_66 = tpu.memref_slice %arg13[%dma_wait3A_64, %dma_wait3A_65] : memref<10240x128xf32, #tpu.memory_space<vmem_shared>> -> memref<10240x128xf32, #tpu.memory_space<vmem_shared>>
        tpu.wait_indirect_dma semaphore(%run_scoped3A : memref<!tpu.dma_semaphore, #tpu.memory_space<semaphore_mem>>) src(%arg11 : memref<80x128xf32, #tpu.memory_space<vmem>>) dst(%dma_wait3A_66 : memref<10240x128xf32, #tpu.memory_space<vmem_shared>>)
        tpu.yield
      }) : () -> ()
      %get3A = arith.constant 0 : index
      %get3A_52 = tpu.vector_load %arg10[%get3A] {strides = array<i32>} : memref<80xi32, #tpu.memory_space<vmem>>, vector<16xi32>,
      tpu.vector_store_idx %arg12[%get3A_52], %broadcast_in_dim3A_21 {add = true} : memref<10240xf32, #tpu.memory_space<vmem>>[vector<16xi32>], vector<16xf32>,
      %get3A_53 = arith.constant 16 : index
      %get3A_54 = tpu.vector_load %arg10[%get3A_53] {strides = array<i32>} : memref<80xi32, #tpu.memory_space<vmem>>, vector<16xi32>,
      tpu.vector_store_idx %arg12[%get3A_54], %broadcast_in_dim3A_21 {add = true} : memref<10240xf32, #tpu.memory_space<vmem>>[vector<16xi32>], vector<16xf32>,
      %get3A_55 = arith.constant 32 : index
      %get3A_56 = tpu.vector_load %arg10[%get3A_55] {strides = array<i32>} : memref<80xi32, #tpu.memory_space<vmem>>, vector<16xi32>,
      tpu.vector_store_idx %arg12[%get3A_56], %broadcast_in_dim3A_21 {add = true} : memref<10240xf32, #tpu.memory_space<vmem>>[vector<16xi32>], vector<16xf32>,
      %get3A_57 = arith.constant 48 : index
      %get3A_58 = tpu.vector_load %arg10[%get3A_57] {strides = array<i32>} : memref<80xi32, #tpu.memory_space<vmem>>, vector<16xi32>,
      tpu.vector_store_idx %arg12[%get3A_58], %broadcast_in_dim3A_21 {add = true} : memref<10240xf32, #tpu.memory_space<vmem>>[vector<16xi32>], vector<16xf32>,
      %get3A_59 = arith.constant 64 : index
      %get3A_60 = tpu.vector_load %arg10[%get3A_59] {strides = array<i32>} : memref<80xi32, #tpu.memory_space<vmem>>, vector<16xi32>,
      tpu.vector_store_idx %arg12[%get3A_60], %broadcast_in_dim3A_21 {add = true} : memref<10240xf32, #tpu.memory_space<vmem>>[vector<16xi32>], vector<16xf32>,
    }
    %scan3A_26 = arith.constant 125 : i32
    %barrier3A_27 = arith.constant 0 : index
    tpu.barrier barrier_id(%barrier3A_27)
    %add3A_28 = arith.constant 0 : i32
    %add3A_29 = arith.addi %mul3A_4, %add3A_28 : i32
    "tpu.region"() ({
      %run_scoped3A = tpu.sem_alloc : memref<!tpu.dma_semaphore, #tpu.memory_space<semaphore_mem>>
      %dma_start3A = arith.constant 0 : i32
      %dma_start3A_44 = tpu.memref_slice %arg13[%add3A_29, %dma_start3A] : memref<10240x128xf32, #tpu.memory_space<vmem_shared>> -> memref<80x128xf32, #tpu.memory_space<vmem_shared>>
      %dma_start3A_45 = arith.constant 0 : i32
      %dma_start3A_46 = tpu.memref_slice %arg13[%add3A_29, %dma_start3A_45] : memref<10240x128xf32, #tpu.memory_space<vmem_shared>> -> memref<80x128xf32, #tpu.memory_space<vmem_shared>>
      tpu.enqueue_dma source(%dma_start3A_46 : memref<80x128xf32, #tpu.memory_space<vmem_shared>>) target(%arg11 : memref<80x128xf32, #tpu.memory_space<vmem>>) target_semaphore(%run_scoped3A : memref<!tpu.dma_semaphore, #tpu.memory_space<semaphore_mem>>)
      %dma_wait3A = arith.constant 0 : i32
      %dma_wait3A_47 = tpu.memref_slice %arg13[%add3A_29, %dma_wait3A] : memref<10240x128xf32, #tpu.memory_space<vmem_shared>> -> memref<80x128xf32, #tpu.memory_space<vmem_shared>>
      %dma_wait3A_48 = arith.constant 0 : i32
      %dma_wait3A_49 = tpu.memref_slice %arg13[%add3A_29, %dma_wait3A_48] : memref<10240x128xf32, #tpu.memory_space<vmem_shared>> -> memref<80x128xf32, #tpu.memory_space<vmem_shared>>
      tpu.wait_dma2 semaphore(%run_scoped3A : memref<!tpu.dma_semaphore, #tpu.memory_space<semaphore_mem>>) src(%dma_wait3A_49 : memref<80x128xf32, #tpu.memory_space<vmem_shared>>) dst(%arg11 : memref<80x128xf32, #tpu.memory_space<vmem>>)
      tpu.yield
    }) : () -> ()
    "tpu.region"() ({
      %run_scoped3A = tpu.sem_alloc : memref<!tpu.dma_semaphore, #tpu.memory_space<semaphore_mem>>
      %dma_start3A = arith.constant 0 : i32
      %dma_start3A_44 = tpu.memref_slice %arg7[%arg0, %add3A_29, %dma_start3A] : memref<2x10240x128xf32, #tpu.memory_space<hbm>> -> memref<1x80x128xf32, #tpu.memory_space<hbm>>
      %dma_start3A_45 = tpu.memref_squeeze %dma_start3A_44 : memref<1x80x128xf32, #tpu.memory_space<hbm>> -> memref<80x128xf32, #tpu.memory_space<hbm>>
      %dma_start3A_46 = arith.constant 0 : i32
      %dma_start3A_47 = tpu.memref_slice %arg7[%arg0, %add3A_29, %dma_start3A_46] : memref<2x10240x128xf32, #tpu.memory_space<hbm>> -> memref<1x80x128xf32, #tpu.memory_space<hbm>>
      %dma_start3A_48 = tpu.memref_squeeze %dma_start3A_47 : memref<1x80x128xf32, #tpu.memory_space<hbm>> -> memref<80x128xf32, #tpu.memory_space<hbm>>
      tpu.enqueue_dma source(%arg11 : memref<80x128xf32, #tpu.memory_space<vmem>>) target(%dma_start3A_48 : memref<80x128xf32, #tpu.memory_space<hbm>>) target_semaphore(%run_scoped3A : memref<!tpu.dma_semaphore, #tpu.memory_space<semaphore_mem>>)
      %dma_wait3A = arith.constant 0 : i32
      %dma_wait3A_49 = tpu.memref_slice %arg7[%arg0, %add3A_29, %dma_wait3A] : memref<2x10240x128xf32, #tpu.memory_space<hbm>> -> memref<1x80x128xf32, #tpu.memory_space<hbm>>
      %dma_wait3A_50 = tpu.memref_squeeze %dma_wait3A_49 : memref<1x80x128xf32, #tpu.memory_space<hbm>> -> memref<80x128xf32, #tpu.memory_space<hbm>>
      %dma_wait3A_51 = arith.constant 0 : i32
      %dma_wait3A_52 = tpu.memref_slice %arg7[%arg0, %add3A_29, %dma_wait3A_51] : memref<2x10240x128xf32, #tpu.memory_space<hbm>> -> memref<1x80x128xf32, #tpu.memory_space<hbm>>
      %dma_wait3A_53 = tpu.memref_squeeze %dma_wait3A_52 : memref<1x80x128xf32, #tpu.memory_space<hbm>> -> memref<80x128xf32, #tpu.memory_space<hbm>>
      tpu.wait_dma2 semaphore(%run_scoped3A : memref<!tpu.dma_semaphore, #tpu.memory_space<semaphore_mem>>) src(%arg11 : memref<80x128xf32, #tpu.memory_space<vmem>>) dst(%dma_wait3A_53 : memref<80x128xf32, #tpu.memory_space<hbm>>)
      tpu.yield
    }) : () -> ()
    %add3A_30 = arith.constant 80 : i32
    %add3A_31 = arith.addi %mul3A_4, %add3A_30 : i32
    "tpu.region"() ({
      %run_scoped3A = tpu.sem_alloc : memref<!tpu.dma_semaphore, #tpu.memory_space<semaphore_mem>>
      %dma_start3A = arith.constant 0 : i32
      %dma_start3A_44 = tpu.memref_slice %arg13[%add3A_31, %dma_start3A] : memref<10240x128xf32, #tpu.memory_space<vmem_shared>> -> memref<80x128xf32, #tpu.memory_space<vmem_shared>>
      %dma_start3A_45 = arith.constant 0 : i32
      %dma_start3A_46 = tpu.memref_slice %arg13[%add3A_31, %dma_start3A_45] : memref<10240x128xf32, #tpu.memory_space<vmem_shared>> -> memref<80x128xf32, #tpu.memory_space<vmem_shared>>
      tpu.enqueue_dma source(%dma_start3A_46 : memref<80x128xf32, #tpu.memory_space<vmem_shared>>) target(%arg11 : memref<80x128xf32, #tpu.memory_space<vmem>>) target_semaphore(%run_scoped3A : memref<!tpu.dma_semaphore, #tpu.memory_space<semaphore_mem>>)
      %dma_wait3A = arith.constant 0 : i32
      %dma_wait3A_47 = tpu.memref_slice %arg13[%add3A_31, %dma_wait3A] : memref<10240x128xf32, #tpu.memory_space<vmem_shared>> -> memref<80x128xf32, #tpu.memory_space<vmem_shared>>
      %dma_wait3A_48 = arith.constant 0 : i32
      %dma_wait3A_49 = tpu.memref_slice %arg13[%add3A_31, %dma_wait3A_48] : memref<10240x128xf32, #tpu.memory_space<vmem_shared>> -> memref<80x128xf32, #tpu.memory_space<vmem_shared>>
      tpu.wait_dma2 semaphore(%run_scoped3A : memref<!tpu.dma_semaphore, #tpu.memory_space<semaphore_mem>>) src(%dma_wait3A_49 : memref<80x128xf32, #tpu.memory_space<vmem_shared>>) dst(%arg11 : memref<80x128xf32, #tpu.memory_space<vmem>>)
      tpu.yield
    }) : () -> ()
    "tpu.region"() ({
      %run_scoped3A = tpu.sem_alloc : memref<!tpu.dma_semaphore, #tpu.memory_space<semaphore_mem>>
      %dma_start3A = arith.constant 0 : i32
      %dma_start3A_44 = tpu.memref_slice %arg7[%arg0, %add3A_31, %dma_start3A] : memref<2x10240x128xf32, #tpu.memory_space<hbm>> -> memref<1x80x128xf32, #tpu.memory_space<hbm>>
      %dma_start3A_45 = tpu.memref_squeeze %dma_start3A_44 : memref<1x80x128xf32, #tpu.memory_space<hbm>> -> memref<80x128xf32, #tpu.memory_space<hbm>>
      %dma_start3A_46 = arith.constant 0 : i32
      %dma_start3A_47 = tpu.memref_slice %arg7[%arg0, %add3A_31, %dma_start3A_46] : memref<2x10240x128xf32, #tpu.memory_space<hbm>> -> memref<1x80x128xf32, #tpu.memory_space<hbm>>
      %dma_start3A_48 = tpu.memref_squeeze %dma_start3A_47 : memref<1x80x128xf32, #tpu.memory_space<hbm>> -> memref<80x128xf32, #tpu.memory_space<hbm>>
      tpu.enqueue_dma source(%arg11 : memref<80x128xf32, #tpu.memory_space<vmem>>) target(%dma_start3A_48 : memref<80x128xf32, #tpu.memory_space<hbm>>) target_semaphore(%run_scoped3A : memref<!tpu.dma_semaphore, #tpu.memory_space<semaphore_mem>>)
      %dma_wait3A = arith.constant 0 : i32
      %dma_wait3A_49 = tpu.memref_slice %arg7[%arg0, %add3A_31, %dma_wait3A] : memref<2x10240x128xf32, #tpu.memory_space<hbm>> -> memref<1x80x128xf32, #tpu.memory_space<hbm>>
      %dma_wait3A_50 = tpu.memref_squeeze %dma_wait3A_49 : memref<1x80x128xf32, #tpu.memory_space<hbm>> -> memref<80x128xf32, #tpu.memory_space<hbm>>
      %dma_wait3A_51 = arith.constant 0 : i32
      %dma_wait3A_52 = tpu.memref_slice %arg7[%arg0, %add3A_31, %dma_wait3A_51] : memref<2x10240x128xf32, #tpu.memory_space<hbm>> -> memref<1x80x128xf32, #tpu.memory_space<hbm>>
      %dma_wait3A_53 = tpu.memref_squeeze %dma_wait3A_52 : memref<1x80x128xf32, #tpu.memory_space<hbm>> -> memref<80x128xf32, #tpu.memory_space<hbm>>
      tpu.wait_dma2 semaphore(%run_scoped3A : memref<!tpu.dma_semaphore, #tpu.memory_space<semaphore_mem>>) src(%arg11 : memref<80x128xf32, #tpu.memory_space<vmem>>) dst(%dma_wait3A_53 : memref<80x128xf32, #tpu.memory_space<hbm>>)
      tpu.yield
    }) : () -> ()
    %add3A_32 = arith.constant 160 : i32
    %add3A_33 = arith.addi %mul3A_4, %add3A_32 : i32
    "tpu.region"() ({
      %run_scoped3A = tpu.sem_alloc : memref<!tpu.dma_semaphore, #tpu.memory_space<semaphore_mem>>
      %dma_start3A = arith.constant 0 : i32
      %dma_start3A_44 = tpu.memref_slice %arg13[%add3A_33, %dma_start3A] : memref<10240x128xf32, #tpu.memory_space<vmem_shared>> -> memref<80x128xf32, #tpu.memory_space<vmem_shared>>
      %dma_start3A_45 = arith.constant 0 : i32
      %dma_start3A_46 = tpu.memref_slice %arg13[%add3A_33, %dma_start3A_45] : memref<10240x128xf32, #tpu.memory_space<vmem_shared>> -> memref<80x128xf32, #tpu.memory_space<vmem_shared>>
      tpu.enqueue_dma source(%dma_start3A_46 : memref<80x128xf32, #tpu.memory_space<vmem_shared>>) target(%arg11 : memref<80x128xf32, #tpu.memory_space<vmem>>) target_semaphore(%run_scoped3A : memref<!tpu.dma_semaphore, #tpu.memory_space<semaphore_mem>>)
      %dma_wait3A = arith.constant 0 : i32
      %dma_wait3A_47 = tpu.memref_slice %arg13[%add3A_33, %dma_wait3A] : memref<10240x128xf32, #tpu.memory_space<vmem_shared>> -> memref<80x128xf32, #tpu.memory_space<vmem_shared>>
      %dma_wait3A_48 = arith.constant 0 : i32
      %dma_wait3A_49 = tpu.memref_slice %arg13[%add3A_33, %dma_wait3A_48] : memref<10240x128xf32, #tpu.memory_space<vmem_shared>> -> memref<80x128xf32, #tpu.memory_space<vmem_shared>>
      tpu.wait_dma2 semaphore(%run_scoped3A : memref<!tpu.dma_semaphore, #tpu.memory_space<semaphore_mem>>) src(%dma_wait3A_49 : memref<80x128xf32, #tpu.memory_space<vmem_shared>>) dst(%arg11 : memref<80x128xf32, #tpu.memory_space<vmem>>)
      tpu.yield
    }) : () -> ()
    "tpu.region"() ({
      %run_scoped3A = tpu.sem_alloc : memref<!tpu.dma_semaphore, #tpu.memory_space<semaphore_mem>>
      %dma_start3A = arith.constant 0 : i32
      %dma_start3A_44 = tpu.memref_slice %arg7[%arg0, %add3A_33, %dma_start3A] : memref<2x10240x128xf32, #tpu.memory_space<hbm>> -> memref<1x80x128xf32, #tpu.memory_space<hbm>>
      %dma_start3A_45 = tpu.memref_squeeze %dma_start3A_44 : memref<1x80x128xf32, #tpu.memory_space<hbm>> -> memref<80x128xf32, #tpu.memory_space<hbm>>
      %dma_start3A_46 = arith.constant 0 : i32
      %dma_start3A_47 = tpu.memref_slice %arg7[%arg0, %add3A_33, %dma_start3A_46] : memref<2x10240x128xf32, #tpu.memory_space<hbm>> -> memref<1x80x128xf32, #tpu.memory_space<hbm>>
      %dma_start3A_48 = tpu.memref_squeeze %dma_start3A_47 : memref<1x80x128xf32, #tpu.memory_space<hbm>> -> memref<80x128xf32, #tpu.memory_space<hbm>>
      tpu.enqueue_dma source(%arg11 : memref<80x128xf32, #tpu.memory_space<vmem>>) target(%dma_start3A_48 : memref<80x128xf32, #tpu.memory_space<hbm>>) target_semaphore(%run_scoped3A : memref<!tpu.dma_semaphore, #tpu.memory_space<semaphore_mem>>)
      %dma_wait3A = arith.constant 0 : i32
      %dma_wait3A_49 = tpu.memref_slice %arg7[%arg0, %add3A_33, %dma_wait3A] : memref<2x10240x128xf32, #tpu.memory_space<hbm>> -> memref<1x80x128xf32, #tpu.memory_space<hbm>>
      %dma_wait3A_50 = tpu.memref_squeeze %dma_wait3A_49 : memref<1x80x128xf32, #tpu.memory_space<hbm>> -> memref<80x128xf32, #tpu.memory_space<hbm>>
      %dma_wait3A_51 = arith.constant 0 : i32
      %dma_wait3A_52 = tpu.memref_slice %arg7[%arg0, %add3A_33, %dma_wait3A_51] : memref<2x10240x128xf32, #tpu.memory_space<hbm>> -> memref<1x80x128xf32, #tpu.memory_space<hbm>>
      %dma_wait3A_53 = tpu.memref_squeeze %dma_wait3A_52 : memref<1x80x128xf32, #tpu.memory_space<hbm>> -> memref<80x128xf32, #tpu.memory_space<hbm>>
      tpu.wait_dma2 semaphore(%run_scoped3A : memref<!tpu.dma_semaphore, #tpu.memory_space<semaphore_mem>>) src(%arg11 : memref<80x128xf32, #tpu.memory_space<vmem>>) dst(%dma_wait3A_53 : memref<80x128xf32, #tpu.memory_space<hbm>>)
      tpu.yield
    }) : () -> ()
    %add3A_34 = arith.constant 240 : i32
    %add3A_35 = arith.addi %mul3A_4, %add3A_34 : i32
    "tpu.region"() ({
      %run_scoped3A = tpu.sem_alloc : memref<!tpu.dma_semaphore, #tpu.memory_space<semaphore_mem>>
      %dma_start3A = arith.constant 0 : i32
      %dma_start3A_44 = tpu.memref_slice %arg13[%add3A_35, %dma_start3A] : memref<10240x128xf32, #tpu.memory_space<vmem_shared>> -> memref<80x128xf32, #tpu.memory_space<vmem_shared>>
      %dma_start3A_45 = arith.constant 0 : i32
      %dma_start3A_46 = tpu.memref_slice %arg13[%add3A_35, %dma_start3A_45] : memref<10240x128xf32, #tpu.memory_space<vmem_shared>> -> memref<80x128xf32, #tpu.memory_space<vmem_shared>>
      tpu.enqueue_dma source(%dma_start3A_46 : memref<80x128xf32, #tpu.memory_space<vmem_shared>>) target(%arg11 : memref<80x128xf32, #tpu.memory_space<vmem>>) target_semaphore(%run_scoped3A : memref<!tpu.dma_semaphore, #tpu.memory_space<semaphore_mem>>)
      %dma_wait3A = arith.constant 0 : i32
      %dma_wait3A_47 = tpu.memref_slice %arg13[%add3A_35, %dma_wait3A] : memref<10240x128xf32, #tpu.memory_space<vmem_shared>> -> memref<80x128xf32, #tpu.memory_space<vmem_shared>>
      %dma_wait3A_48 = arith.constant 0 : i32
      %dma_wait3A_49 = tpu.memref_slice %arg13[%add3A_35, %dma_wait3A_48] : memref<10240x128xf32, #tpu.memory_space<vmem_shared>> -> memref<80x128xf32, #tpu.memory_space<vmem_shared>>
      tpu.wait_dma2 semaphore(%run_scoped3A : memref<!tpu.dma_semaphore, #tpu.memory_space<semaphore_mem>>) src(%dma_wait3A_49 : memref<80x128xf32, #tpu.memory_space<vmem_shared>>) dst(%arg11 : memref<80x128xf32, #tpu.memory_space<vmem>>)
      tpu.yield
    }) : () -> ()
    "tpu.region"() ({
      %run_scoped3A = tpu.sem_alloc : memref<!tpu.dma_semaphore, #tpu.memory_space<semaphore_mem>>
      %dma_start3A = arith.constant 0 : i32
      %dma_start3A_44 = tpu.memref_slice %arg7[%arg0, %add3A_35, %dma_start3A] : memref<2x10240x128xf32, #tpu.memory_space<hbm>> -> memref<1x80x128xf32, #tpu.memory_space<hbm>>
      %dma_start3A_45 = tpu.memref_squeeze %dma_start3A_44 : memref<1x80x128xf32, #tpu.memory_space<hbm>> -> memref<80x128xf32, #tpu.memory_space<hbm>>
      %dma_start3A_46 = arith.constant 0 : i32
      %dma_start3A_47 = tpu.memref_slice %arg7[%arg0, %add3A_35, %dma_start3A_46] : memref<2x10240x128xf32, #tpu.memory_space<hbm>> -> memref<1x80x128xf32, #tpu.memory_space<hbm>>
      %dma_start3A_48 = tpu.memref_squeeze %dma_start3A_47 : memref<1x80x128xf32, #tpu.memory_space<hbm>> -> memref<80x128xf32, #tpu.memory_space<hbm>>
      tpu.enqueue_dma source(%arg11 : memref<80x128xf32, #tpu.memory_space<vmem>>) target(%dma_start3A_48 : memref<80x128xf32, #tpu.memory_space<hbm>>) target_semaphore(%run_scoped3A : memref<!tpu.dma_semaphore, #tpu.memory_space<semaphore_mem>>)
      %dma_wait3A = arith.constant 0 : i32
      %dma_wait3A_49 = tpu.memref_slice %arg7[%arg0, %add3A_35, %dma_wait3A] : memref<2x10240x128xf32, #tpu.memory_space<hbm>> -> memref<1x80x128xf32, #tpu.memory_space<hbm>>
      %dma_wait3A_50 = tpu.memref_squeeze %dma_wait3A_49 : memref<1x80x128xf32, #tpu.memory_space<hbm>> -> memref<80x128xf32, #tpu.memory_space<hbm>>
      %dma_wait3A_51 = arith.constant 0 : i32
      %dma_wait3A_52 = tpu.memref_slice %arg7[%arg0, %add3A_35, %dma_wait3A_51] : memref<2x10240x128xf32, #tpu.memory_space<hbm>> -> memref<1x80x128xf32, #tpu.memory_space<hbm>>
      %dma_wait3A_53 = tpu.memref_squeeze %dma_wait3A_52 : memref<1x80x128xf32, #tpu.memory_space<hbm>> -> memref<80x128xf32, #tpu.memory_space<hbm>>
      tpu.wait_dma2 semaphore(%run_scoped3A : memref<!tpu.dma_semaphore, #tpu.memory_space<semaphore_mem>>) src(%arg11 : memref<80x128xf32, #tpu.memory_space<vmem>>) dst(%dma_wait3A_53 : memref<80x128xf32, #tpu.memory_space<hbm>>)
      tpu.yield
    }) : () -> ()
    %add3A_36 = arith.constant 320 : i32
    %add3A_37 = arith.addi %mul3A_4, %add3A_36 : i32
    "tpu.region"() ({
      %run_scoped3A = tpu.sem_alloc : memref<!tpu.dma_semaphore, #tpu.memory_space<semaphore_mem>>
      %dma_start3A = arith.constant 0 : i32
      %dma_start3A_44 = tpu.memref_slice %arg13[%add3A_37, %dma_start3A] : memref<10240x128xf32, #tpu.memory_space<vmem_shared>> -> memref<80x128xf32, #tpu.memory_space<vmem_shared>>
      %dma_start3A_45 = arith.constant 0 : i32
      %dma_start3A_46 = tpu.memref_slice %arg13[%add3A_37, %dma_start3A_45] : memref<10240x128xf32, #tpu.memory_space<vmem_shared>> -> memref<80x128xf32, #tpu.memory_space<vmem_shared>>
      tpu.enqueue_dma source(%dma_start3A_46 : memref<80x128xf32, #tpu.memory_space<vmem_shared>>) target(%arg11 : memref<80x128xf32, #tpu.memory_space<vmem>>) target_semaphore(%run_scoped3A : memref<!tpu.dma_semaphore, #tpu.memory_space<semaphore_mem>>)
      %dma_wait3A = arith.constant 0 : i32
      %dma_wait3A_47 = tpu.memref_slice %arg13[%add3A_37, %dma_wait3A] : memref<10240x128xf32, #tpu.memory_space<vmem_shared>> -> memref<80x128xf32, #tpu.memory_space<vmem_shared>>
      %dma_wait3A_48 = arith.constant 0 : i32
      %dma_wait3A_49 = tpu.memref_slice %arg13[%add3A_37, %dma_wait3A_48] : memref<10240x128xf32, #tpu.memory_space<vmem_shared>> -> memref<80x128xf32, #tpu.memory_space<vmem_shared>>
      tpu.wait_dma2 semaphore(%run_scoped3A : memref<!tpu.dma_semaphore, #tpu.memory_space<semaphore_mem>>) src(%dma_wait3A_49 : memref<80x128xf32, #tpu.memory_space<vmem_shared>>) dst(%arg11 : memref<80x128xf32, #tpu.memory_space<vmem>>)
      tpu.yield
    }) : () -> ()
    "tpu.region"() ({
      %run_scoped3A = tpu.sem_alloc : memref<!tpu.dma_semaphore, #tpu.memory_space<semaphore_mem>>
      %dma_start3A = arith.constant 0 : i32
      %dma_start3A_44 = tpu.memref_slice %arg7[%arg0, %add3A_37, %dma_start3A] : memref<2x10240x128xf32, #tpu.memory_space<hbm>> -> memref<1x80x128xf32, #tpu.memory_space<hbm>>
      %dma_start3A_45 = tpu.memref_squeeze %dma_start3A_44 : memref<1x80x128xf32, #tpu.memory_space<hbm>> -> memref<80x128xf32, #tpu.memory_space<hbm>>
      %dma_start3A_46 = arith.constant 0 : i32
      %dma_start3A_47 = tpu.memref_slice %arg7[%arg0, %add3A_37, %dma_start3A_46] : memref<2x10240x128xf32, #tpu.memory_space<hbm>> -> memref<1x80x128xf32, #tpu.memory_space<hbm>>
      %dma_start3A_48 = tpu.memref_squeeze %dma_start3A_47 : memref<1x80x128xf32, #tpu.memory_space<hbm>> -> memref<80x128xf32, #tpu.memory_space<hbm>>
      tpu.enqueue_dma source(%arg11 : memref<80x128xf32, #tpu.memory_space<vmem>>) target(%dma_start3A_48 : memref<80x128xf32, #tpu.memory_space<hbm>>) target_semaphore(%run_scoped3A : memref<!tpu.dma_semaphore, #tpu.memory_space<semaphore_mem>>)
      %dma_wait3A = arith.constant 0 : i32
      %dma_wait3A_49 = tpu.memref_slice %arg7[%arg0, %add3A_37, %dma_wait3A] : memref<2x10240x128xf32, #tpu.memory_space<hbm>> -> memref<1x80x128xf32, #tpu.memory_space<hbm>>
      %dma_wait3A_50 = tpu.memref_squeeze %dma_wait3A_49 : memref<1x80x128xf32, #tpu.memory_space<hbm>> -> memref<80x128xf32, #tpu.memory_space<hbm>>
      %dma_wait3A_51 = arith.constant 0 : i32
      %dma_wait3A_52 = tpu.memref_slice %arg7[%arg0, %add3A_37, %dma_wait3A_51] : memref<2x10240x128xf32, #tpu.memory_space<hbm>> -> memref<1x80x128xf32, #tpu.memory_space<hbm>>
      %dma_wait3A_53 = tpu.memref_squeeze %dma_wait3A_52 : memref<1x80x128xf32, #tpu.memory_space<hbm>> -> memref<80x128xf32, #tpu.memory_space<hbm>>
      tpu.wait_dma2 semaphore(%run_scoped3A : memref<!tpu.dma_semaphore, #tpu.memory_space<semaphore_mem>>) src(%arg11 : memref<80x128xf32, #tpu.memory_space<vmem>>) dst(%dma_wait3A_53 : memref<80x128xf32, #tpu.memory_space<hbm>>)
      tpu.yield
    }) : () -> ()
    %add3A_38 = arith.constant 400 : i32
    %add3A_39 = arith.addi %mul3A_4, %add3A_38 : i32
    "tpu.region"() ({
      %run_scoped3A = tpu.sem_alloc : memref<!tpu.dma_semaphore, #tpu.memory_space<semaphore_mem>>
      %dma_start3A = arith.constant 0 : i32
      %dma_start3A_44 = tpu.memref_slice %arg13[%add3A_39, %dma_start3A] : memref<10240x128xf32, #tpu.memory_space<vmem_shared>> -> memref<80x128xf32, #tpu.memory_space<vmem_shared>>
      %dma_start3A_45 = arith.constant 0 : i32
      %dma_start3A_46 = tpu.memref_slice %arg13[%add3A_39, %dma_start3A_45] : memref<10240x128xf32, #tpu.memory_space<vmem_shared>> -> memref<80x128xf32, #tpu.memory_space<vmem_shared>>
      tpu.enqueue_dma source(%dma_start3A_46 : memref<80x128xf32, #tpu.memory_space<vmem_shared>>) target(%arg11 : memref<80x128xf32, #tpu.memory_space<vmem>>) target_semaphore(%run_scoped3A : memref<!tpu.dma_semaphore, #tpu.memory_space<semaphore_mem>>)
      %dma_wait3A = arith.constant 0 : i32
      %dma_wait3A_47 = tpu.memref_slice %arg13[%add3A_39, %dma_wait3A] : memref<10240x128xf32, #tpu.memory_space<vmem_shared>> -> memref<80x128xf32, #tpu.memory_space<vmem_shared>>
      %dma_wait3A_48 = arith.constant 0 : i32
      %dma_wait3A_49 = tpu.memref_slice %arg13[%add3A_39, %dma_wait3A_48] : memref<10240x128xf32, #tpu.memory_space<vmem_shared>> -> memref<80x128xf32, #tpu.memory_space<vmem_shared>>
      tpu.wait_dma2 semaphore(%run_scoped3A : memref<!tpu.dma_semaphore, #tpu.memory_space<semaphore_mem>>) src(%dma_wait3A_49 : memref<80x128xf32, #tpu.memory_space<vmem_shared>>) dst(%arg11 : memref<80x128xf32, #tpu.memory_space<vmem>>)
      tpu.yield
    }) : () -> ()
    "tpu.region"() ({
      %run_scoped3A = tpu.sem_alloc : memref<!tpu.dma_semaphore, #tpu.memory_space<semaphore_mem>>
      %dma_start3A = arith.constant 0 : i32
      %dma_start3A_44 = tpu.memref_slice %arg7[%arg0, %add3A_39, %dma_start3A] : memref<2x10240x128xf32, #tpu.memory_space<hbm>> -> memref<1x80x128xf32, #tpu.memory_space<hbm>>
      %dma_start3A_45 = tpu.memref_squeeze %dma_start3A_44 : memref<1x80x128xf32, #tpu.memory_space<hbm>> -> memref<80x128xf32, #tpu.memory_space<hbm>>
      %dma_start3A_46 = arith.constant 0 : i32
      %dma_start3A_47 = tpu.memref_slice %arg7[%arg0, %add3A_39, %dma_start3A_46] : memref<2x10240x128xf32, #tpu.memory_space<hbm>> -> memref<1x80x128xf32, #tpu.memory_space<hbm>>
      %dma_start3A_48 = tpu.memref_squeeze %dma_start3A_47 : memref<1x80x128xf32, #tpu.memory_space<hbm>> -> memref<80x128xf32, #tpu.memory_space<hbm>>
      tpu.enqueue_dma source(%arg11 : memref<80x128xf32, #tpu.memory_space<vmem>>) target(%dma_start3A_48 : memref<80x128xf32, #tpu.memory_space<hbm>>) target_semaphore(%run_scoped3A : memref<!tpu.dma_semaphore, #tpu.memory_space<semaphore_mem>>)
      %dma_wait3A = arith.constant 0 : i32
      %dma_wait3A_49 = tpu.memref_slice %arg7[%arg0, %add3A_39, %dma_wait3A] : memref<2x10240x128xf32, #tpu.memory_space<hbm>> -> memref<1x80x128xf32, #tpu.memory_space<hbm>>
      %dma_wait3A_50 = tpu.memref_squeeze %dma_wait3A_49 : memref<1x80x128xf32, #tpu.memory_space<hbm>> -> memref<80x128xf32, #tpu.memory_space<hbm>>
      %dma_wait3A_51 = arith.constant 0 : i32
      %dma_wait3A_52 = tpu.memref_slice %arg7[%arg0, %add3A_39, %dma_wait3A_51] : memref<2x10240x128xf32, #tpu.memory_space<hbm>> -> memref<1x80x128xf32, #tpu.memory_space<hbm>>
      %dma_wait3A_53 = tpu.memref_squeeze %dma_wait3A_52 : memref<1x80x128xf32, #tpu.memory_space<hbm>> -> memref<80x128xf32, #tpu.memory_space<hbm>>
      tpu.wait_dma2 semaphore(%run_scoped3A : memref<!tpu.dma_semaphore, #tpu.memory_space<semaphore_mem>>) src(%arg11 : memref<80x128xf32, #tpu.memory_space<vmem>>) dst(%dma_wait3A_53 : memref<80x128xf32, #tpu.memory_space<hbm>>)
      tpu.yield
    }) : () -> ()
    %add3A_40 = arith.constant 480 : i32
    %add3A_41 = arith.addi %mul3A_4, %add3A_40 : i32
    "tpu.region"() ({
      %run_scoped3A = tpu.sem_alloc : memref<!tpu.dma_semaphore, #tpu.memory_space<semaphore_mem>>
      %dma_start3A = arith.constant 0 : i32
      %dma_start3A_44 = tpu.memref_slice %arg13[%add3A_41, %dma_start3A] : memref<10240x128xf32, #tpu.memory_space<vmem_shared>> -> memref<80x128xf32, #tpu.memory_space<vmem_shared>>
      %dma_start3A_45 = arith.constant 0 : i32
      %dma_start3A_46 = tpu.memref_slice %arg13[%add3A_41, %dma_start3A_45] : memref<10240x128xf32, #tpu.memory_space<vmem_shared>> -> memref<80x128xf32, #tpu.memory_space<vmem_shared>>
      tpu.enqueue_dma source(%dma_start3A_46 : memref<80x128xf32, #tpu.memory_space<vmem_shared>>) target(%arg11 : memref<80x128xf32, #tpu.memory_space<vmem>>) target_semaphore(%run_scoped3A : memref<!tpu.dma_semaphore, #tpu.memory_space<semaphore_mem>>)
      %dma_wait3A = arith.constant 0 : i32
      %dma_wait3A_47 = tpu.memref_slice %arg13[%add3A_41, %dma_wait3A] : memref<10240x128xf32, #tpu.memory_space<vmem_shared>> -> memref<80x128xf32, #tpu.memory_space<vmem_shared>>
      %dma_wait3A_48 = arith.constant 0 : i32
      %dma_wait3A_49 = tpu.memref_slice %arg13[%add3A_41, %dma_wait3A_48] : memref<10240x128xf32, #tpu.memory_space<vmem_shared>> -> memref<80x128xf32, #tpu.memory_space<vmem_shared>>
      tpu.wait_dma2 semaphore(%run_scoped3A : memref<!tpu.dma_semaphore, #tpu.memory_space<semaphore_mem>>) src(%dma_wait3A_49 : memref<80x128xf32, #tpu.memory_space<vmem_shared>>) dst(%arg11 : memref<80x128xf32, #tpu.memory_space<vmem>>)
      tpu.yield
    }) : () -> ()
    "tpu.region"() ({
      %run_scoped3A = tpu.sem_alloc : memref<!tpu.dma_semaphore, #tpu.memory_space<semaphore_mem>>
      %dma_start3A = arith.constant 0 : i32
      %dma_start3A_44 = tpu.memref_slice %arg7[%arg0, %add3A_41, %dma_start3A] : memref<2x10240x128xf32, #tpu.memory_space<hbm>> -> memref<1x80x128xf32, #tpu.memory_space<hbm>>
      %dma_start3A_45 = tpu.memref_squeeze %dma_start3A_44 : memref<1x80x128xf32, #tpu.memory_space<hbm>> -> memref<80x128xf32, #tpu.memory_space<hbm>>
      %dma_start3A_46 = arith.constant 0 : i32
      %dma_start3A_47 = tpu.memref_slice %arg7[%arg0, %add3A_41, %dma_start3A_46] : memref<2x10240x128xf32, #tpu.memory_space<hbm>> -> memref<1x80x128xf32, #tpu.memory_space<hbm>>
      %dma_start3A_48 = tpu.memref_squeeze %dma_start3A_47 : memref<1x80x128xf32, #tpu.memory_space<hbm>> -> memref<80x128xf32, #tpu.memory_space<hbm>>
      tpu.enqueue_dma source(%arg11 : memref<80x128xf32, #tpu.memory_space<vmem>>) target(%dma_start3A_48 : memref<80x128xf32, #tpu.memory_space<hbm>>) target_semaphore(%run_scoped3A : memref<!tpu.dma_semaphore, #tpu.memory_space<semaphore_mem>>)
      %dma_wait3A = arith.constant 0 : i32
      %dma_wait3A_49 = tpu.memref_slice %arg7[%arg0, %add3A_41, %dma_wait3A] : memref<2x10240x128xf32, #tpu.memory_space<hbm>> -> memref<1x80x128xf32, #tpu.memory_space<hbm>>
      %dma_wait3A_50 = tpu.memref_squeeze %dma_wait3A_49 : memref<1x80x128xf32, #tpu.memory_space<hbm>> -> memref<80x128xf32, #tpu.memory_space<hbm>>
      %dma_wait3A_51 = arith.constant 0 : i32
      %dma_wait3A_52 = tpu.memref_slice %arg7[%arg0, %add3A_41, %dma_wait3A_51] : memref<2x10240x128xf32, #tpu.memory_space<hbm>> -> memref<1x80x128xf32, #tpu.memory_space<hbm>>
      %dma_wait3A_53 = tpu.memref_squeeze %dma_wait3A_52 : memref<1x80x128xf32, #tpu.memory_space<hbm>> -> memref<80x128xf32, #tpu.memory_space<hbm>>
      tpu.wait_dma2 semaphore(%run_scoped3A : memref<!tpu.dma_semaphore, #tpu.memory_space<semaphore_mem>>) src(%arg11 : memref<80x128xf32, #tpu.memory_space<vmem>>) dst(%dma_wait3A_53 : memref<80x128xf32, #tpu.memory_space<hbm>>)
      tpu.yield
    }) : () -> ()
    %add3A_42 = arith.constant 560 : i32
    %add3A_43 = arith.addi %mul3A_4, %add3A_42 : i32
    "tpu.region"() ({
      %run_scoped3A = tpu.sem_alloc : memref<!tpu.dma_semaphore, #tpu.memory_space<semaphore_mem>>
      %dma_start3A = arith.constant 0 : i32
      %dma_start3A_44 = tpu.memref_slice %arg13[%add3A_43, %dma_start3A] : memref<10240x128xf32, #tpu.memory_space<vmem_shared>> -> memref<80x128xf32, #tpu.memory_space<vmem_shared>>
      %dma_start3A_45 = arith.constant 0 : i32
      %dma_start3A_46 = tpu.memref_slice %arg13[%add3A_43, %dma_start3A_45] : memref<10240x128xf32, #tpu.memory_space<vmem_shared>> -> memref<80x128xf32, #tpu.memory_space<vmem_shared>>
      tpu.enqueue_dma source(%dma_start3A_46 : memref<80x128xf32, #tpu.memory_space<vmem_shared>>) target(%arg11 : memref<80x128xf32, #tpu.memory_space<vmem>>) target_semaphore(%run_scoped3A : memref<!tpu.dma_semaphore, #tpu.memory_space<semaphore_mem>>)
      %dma_wait3A = arith.constant 0 : i32
      %dma_wait3A_47 = tpu.memref_slice %arg13[%add3A_43, %dma_wait3A] : memref<10240x128xf32, #tpu.memory_space<vmem_shared>> -> memref<80x128xf32, #tpu.memory_space<vmem_shared>>
      %dma_wait3A_48 = arith.constant 0 : i32
      %dma_wait3A_49 = tpu.memref_slice %arg13[%add3A_43, %dma_wait3A_48] : memref<10240x128xf32, #tpu.memory_space<vmem_shared>> -> memref<80x128xf32, #tpu.memory_space<vmem_shared>>
      tpu.wait_dma2 semaphore(%run_scoped3A : memref<!tpu.dma_semaphore, #tpu.memory_space<semaphore_mem>>) src(%dma_wait3A_49 : memref<80x128xf32, #tpu.memory_space<vmem_shared>>) dst(%arg11 : memref<80x128xf32, #tpu.memory_space<vmem>>)
      tpu.yield
    }) : () -> ()
    "tpu.region"() ({
      %run_scoped3A = tpu.sem_alloc : memref<!tpu.dma_semaphore, #tpu.memory_space<semaphore_mem>>
      %dma_start3A = arith.constant 0 : i32
      %dma_start3A_44 = tpu.memref_slice %arg7[%arg0, %add3A_43, %dma_start3A] : memref<2x10240x128xf32, #tpu.memory_space<hbm>> -> memref<1x80x128xf32, #tpu.memory_space<hbm>>
      %dma_start3A_45 = tpu.memref_squeeze %dma_start3A_44 : memref<1x80x128xf32, #tpu.memory_space<hbm>> -> memref<80x128xf32, #tpu.memory_space<hbm>>
      %dma_start3A_46 = arith.constant 0 : i32
      %dma_start3A_47 = tpu.memref_slice %arg7[%arg0, %add3A_43, %dma_start3A_46] : memref<2x10240x128xf32, #tpu.memory_space<hbm>> -> memref<1x80x128xf32, #tpu.memory_space<hbm>>
      %dma_start3A_48 = tpu.memref_squeeze %dma_start3A_47 : memref<1x80x128xf32, #tpu.memory_space<hbm>> -> memref<80x128xf32, #tpu.memory_space<hbm>>
      tpu.enqueue_dma source(%arg11 : memref<80x128xf32, #tpu.memory_space<vmem>>) target(%dma_start3A_48 : memref<80x128xf32, #tpu.memory_space<hbm>>) target_semaphore(%run_scoped3A : memref<!tpu.dma_semaphore, #tpu.memory_space<semaphore_mem>>)
      %dma_wait3A = arith.constant 0 : i32
      %dma_wait3A_49 = tpu.memref_slice %arg7[%arg0, %add3A_43, %dma_wait3A] : memref<2x10240x128xf32, #tpu.memory_space<hbm>> -> memref<1x80x128xf32, #tpu.memory_space<hbm>>
      %dma_wait3A_50 = tpu.memref_squeeze %dma_wait3A_49 : memref<1x80x128xf32, #tpu.memory_space<hbm>> -> memref<80x128xf32, #tpu.memory_space<hbm>>
      %dma_wait3A_51 = arith.constant 0 : i32
      %dma_wait3A_52 = tpu.memref_slice %arg7[%arg0, %add3A_43, %dma_wait3A_51] : memref<2x10240x128xf32, #tpu.memory_space<hbm>> -> memref<1x80x128xf32, #tpu.memory_space<hbm>>
      %dma_wait3A_53 = tpu.memref_squeeze %dma_wait3A_52 : memref<1x80x128xf32, #tpu.memory_space<hbm>> -> memref<80x128xf32, #tpu.memory_space<hbm>>
      tpu.wait_dma2 semaphore(%run_scoped3A : memref<!tpu.dma_semaphore, #tpu.memory_space<semaphore_mem>>) src(%arg11 : memref<80x128xf32, #tpu.memory_space<vmem>>) dst(%dma_wait3A_53 : memref<80x128xf32, #tpu.memory_space<hbm>>)
      tpu.yield
    }) : () -> ()
    "tpu.region"() ({
      %run_scoped3A = tpu.sem_alloc : memref<!tpu.dma_semaphore, #tpu.memory_space<semaphore_mem>>
      %dma_start3A = arith.constant 0 : i32
      %dma_start3A_44 = tpu.memref_slice %arg8[%arg0, %arg1, %dma_start3A] : memref<2x16x10240xf32, #tpu.memory_space<hbm>> -> memref<1x1x10240xf32, #tpu.memory_space<hbm>>
      %dma_start3A_45 = tpu.memref_squeeze %dma_start3A_44 : memref<1x1x10240xf32, #tpu.memory_space<hbm>> -> memref<10240xf32, #tpu.memory_space<hbm>>
      %dma_start3A_46 = arith.constant 0 : i32
      %dma_start3A_47 = tpu.memref_slice %arg8[%arg0, %arg1, %dma_start3A_46] : memref<2x16x10240xf32, #tpu.memory_space<hbm>> -> memref<1x1x10240xf32, #tpu.memory_space<hbm>>
      %dma_start3A_48 = tpu.memref_squeeze %dma_start3A_47 : memref<1x1x10240xf32, #tpu.memory_space<hbm>> -> memref<10240xf32, #tpu.memory_space<hbm>>
      tpu.enqueue_dma source(%arg12 : memref<10240xf32, #tpu.memory_space<vmem>>) target(%dma_start3A_48 : memref<10240xf32, #tpu.memory_space<hbm>>) target_semaphore(%run_scoped3A : memref<!tpu.dma_semaphore, #tpu.memory_space<semaphore_mem>>)
      %dma_wait3A = arith.constant 0 : i32
      %dma_wait3A_49 = tpu.memref_slice %arg8[%arg0, %arg1, %dma_wait3A] : memref<2x16x10240xf32, #tpu.memory_space<hbm>> -> memref<1x1x10240xf32, #tpu.memory_space<hbm>>
      %dma_wait3A_50 = tpu.memref_squeeze %dma_wait3A_49 : memref<1x1x10240xf32, #tpu.memory_space<hbm>> -> memref<10240xf32, #tpu.memory_space<hbm>>
      %dma_wait3A_51 = arith.constant 0 : i32
      %dma_wait3A_52 = tpu.memref_slice %arg8[%arg0, %arg1, %dma_wait3A_51] : memref<2x16x10240xf32, #tpu.memory_space<hbm>> -> memref<1x1x10240xf32, #tpu.memory_space<hbm>>
      %dma_wait3A_53 = tpu.memref_squeeze %dma_wait3A_52 : memref<1x1x10240xf32, #tpu.memory_space<hbm>> -> memref<10240xf32, #tpu.memory_space<hbm>>
      tpu.wait_dma2 semaphore(%run_scoped3A : memref<!tpu.dma_semaphore, #tpu.memory_space<semaphore_mem>>) src(%arg12 : memref<10240xf32, #tpu.memory_space<vmem>>) dst(%dma_wait3A_53 : memref<10240xf32, #tpu.memory_space<hbm>>)
      tpu.yield
    }) : () -> ()
    return
  }
}

module attributes {stable_mosaic.version = 14 : i64} {
  func.func @tc_sage_layer1(%arg0: i32, %arg1: memref<2x1000x128xf32, #tpu.memory_space<vmem>>, %arg2: memref<1000x128xf32, #tpu.memory_space<vmem>>, %arg3: memref<1000x32xf32, #tpu.memory_space<vmem>>, %arg4: memref<128x128xf32, #tpu.memory_space<vmem>>, %arg5: memref<1x128xf32, #tpu.memory_space<vmem>>, %arg6: memref<1000x128xf32, #tpu.memory_space<vmem>>) attributes {dimension_semantics = [#tpu.dimension_semantics<arbitrary>], iteration_bounds = array<i64: 10>, scalar_prefetch = 0 : i64, scratch_operands = 0 : i64, tpu.core_type = #tpu.core_type<tc>, window_params = [{transform_indices = @transform_0, window_bounds = array<i64: 2, 1000, 128>}, {transform_indices = @transform_1, window_bounds = array<i64: 1000, 128>}, {transform_indices = @transform_2, window_bounds = array<i64: 1000, 32>}, {pipeline_mode = #tpu.pipeline_mode<synchronous>, transform_indices = @transform_3, window_bounds = array<i64: 128, 128>}, {pipeline_mode = #tpu.pipeline_mode<synchronous>, transform_indices = @transform_4, window_bounds = array<i64: 1, 128>}, {transform_indices = @transform_5, window_bounds = array<i64: 1000, 128>}]} {
    %get3A = arith.constant 0 : index
    %get3A_0 = arith.constant 0 : index
    %get3A_1 = arith.constant 0 : index
    %get3A_2 = vector.load %arg1[%get3A, %get3A_0, %get3A_1] : memref<2x1000x128xf32, #tpu.memory_space<vmem>>, vector<1x1000x128xf32>
    %get3A_3 = vector.shape_cast %get3A_2 : vector<1x1000x128xf32> to vector<1000x128xf32>
    %get3A_4 = arith.constant 1 : index
    %get3A_5 = arith.constant 0 : index
    %get3A_6 = arith.constant 0 : index
    %get3A_7 = vector.load %arg1[%get3A_4, %get3A_5, %get3A_6] : memref<2x1000x128xf32, #tpu.memory_space<vmem>>, vector<1x1000x128xf32>
    %get3A_8 = vector.shape_cast %get3A_7 : vector<1x1000x128xf32> to vector<1000x128xf32>
    %add3A = arith.addf %get3A_3, %get3A_8 : vector<1000x128xf32>
    %get3A_9 = arith.constant 0 : index
    %get3A_10 = arith.constant 0 : index
    %get3A_11 = vector.load %arg2[%get3A_9, %get3A_10] : memref<1000x128xf32, #tpu.memory_space<vmem>>, vector<1000x128xf32>
    %add3A_12 = arith.addf %add3A, %get3A_11 : vector<1000x128xf32>
    %get3A_13 = arith.constant 0 : index
    %get3A_14 = arith.constant 0 : index
    %get3A_15 = vector.load %arg3[%get3A_13, %get3A_14] : memref<1000x32xf32, #tpu.memory_space<vmem>>, vector<1000x32xf32>
    %reduce_sum3A = arith.constant dense<0.000000e+00> : vector<1000xf32>
    %reduce_sum3A_16 = vector.multi_reduction <add>, %get3A_15, %reduce_sum3A [1] : vector<1000x32xf32> to vector<1000xf32>
    %broadcast_in_dim3A = vector.shape_cast %reduce_sum3A_16 : vector<1000xf32> to vector<1000x1xf32>
    %add3A_17 = arith.constant 1.000000e+00 : f32
    %add3A_18 = vector.broadcast %add3A_17 : f32 to vector<1000x1xf32>
    %add3A_19 = arith.addf %broadcast_in_dim3A, %add3A_18 : vector<1000x1xf32>
    %div3A = vector.broadcast %add3A_19 : vector<1000x1xf32> to vector<1000x128xf32>
    %div3A_20 = arith.divf %add3A_12, %div3A : vector<1000x128xf32>
    %get3A_21 = arith.constant 0 : index
    %get3A_22 = arith.constant 0 : index
    %get3A_23 = vector.load %arg4[%get3A_21, %get3A_22] : memref<128x128xf32, #tpu.memory_space<vmem>>, vector<128x128xf32>
    %dot_general3A = arith.constant dense<0.000000e+00> : vector<1000x128xf32>
    %dot_general3A_24 = tpu.matmul %div3A_20, %get3A_23, %dot_general3A {dimension_numbers = #tpu.dot_dimension_numbers<[1], [0], [0], [1], [0, 0, 1, 1], [], []>, transpose_lhs_hint = false} : vector<1000x128xf32>, vector<128x128xf32>, vector<1000x128xf32> -> vector<1000x128xf32>
    %get3A_25 = arith.constant 0 : index
    %get3A_26 = arith.constant 0 : index
    %get3A_27 = vector.load %arg5[%get3A_25, %get3A_26] : memref<1x128xf32, #tpu.memory_space<vmem>>, vector<1x128xf32>
    %add3A_28 = vector.broadcast %get3A_27 : vector<1x128xf32> to vector<1000x128xf32>
    %add3A_29 = arith.addf %dot_general3A_24, %add3A_28 : vector<1000x128xf32>
    %max3A = arith.constant 0.000000e+00 : f32
    %max3A_30 = vector.broadcast %max3A : f32 to vector<1000x128xf32>
    %max3A_31 = arith.maximumf %add3A_29, %max3A_30 : vector<1000x128xf32>
    %swap3A = arith.constant 0 : index
    %swap3A_32 = arith.constant 0 : index
    %swap3A_33 = vector.load %arg6[%swap3A, %swap3A_32] : memref<1000x128xf32, #tpu.memory_space<vmem>>, vector<1000x128xf32>
    tpu.vector_store %arg6[%swap3A, %swap3A_32], %max3A_31 {strides = array<i32>} : memref<1000x128xf32, #tpu.memory_space<vmem>>, vector<1000x128xf32>,
    return
  }
  func.func @transform_0(%arg0: i32) -> (i32, i32, i32) {
    %c0_i32 = arith.constant 0 : i32
    %c0_i32_0 = arith.constant 0 : i32
    %c0_i32_1 = arith.constant 0 : i32
    return %c0_i32, %arg0, %c0_i32_0 : i32, i32, i32
  }
  func.func @transform_1(%arg0: i32) -> (i32, i32) {
    %c0_i32 = arith.constant 0 : i32
    %c0_i32_0 = arith.constant 0 : i32
    return %arg0, %c0_i32 : i32, i32
  }
  func.func @transform_2(%arg0: i32) -> (i32, i32) {
    %c0_i32 = arith.constant 0 : i32
    %c0_i32_0 = arith.constant 0 : i32
    return %arg0, %c0_i32 : i32, i32
  }
  func.func @transform_3(%arg0: i32) -> (i32, i32) {
    %c0_i32 = arith.constant 0 : i32
    %c0_i32_0 = arith.constant 0 : i32
    %c0_i32_1 = arith.constant 0 : i32
    return %c0_i32, %c0_i32_0 : i32, i32
  }
  func.func @transform_4(%arg0: i32) -> (i32, i32) {
    %c0_i32 = arith.constant 0 : i32
    %c0_i32_0 = arith.constant 0 : i32
    %c0_i32_1 = arith.constant 0 : i32
    return %c0_i32, %c0_i32_0 : i32, i32
  }
  func.func @transform_5(%arg0: i32) -> (i32, i32) {
    %c0_i32 = arith.constant 0 : i32
    %c0_i32_0 = arith.constant 0 : i32
    return %arg0, %c0_i32 : i32, i32
  }
}

module attributes {stable_mosaic.version = 14 : i64} {
  func.func @tc_sage_layer2(%arg0: i32, %arg1: memref<2x1000x128xf32, #tpu.memory_space<vmem>>, %arg2: memref<1000x128xf32, #tpu.memory_space<vmem>>, %arg3: memref<1000x32xf32, #tpu.memory_space<vmem>>, %arg4: memref<128x128xf32, #tpu.memory_space<vmem>>, %arg5: memref<1x128xf32, #tpu.memory_space<vmem>>, %arg6: memref<128x128xf32, #tpu.memory_space<vmem>>, %arg7: memref<1x128xf32, #tpu.memory_space<vmem>>, %arg8: memref<1000x128xf32, #tpu.memory_space<vmem>>, %arg9: memref<1000x128xf32, #tpu.memory_space<vmem>>) attributes {dimension_semantics = [#tpu.dimension_semantics<arbitrary>], iteration_bounds = array<i64: 10>, scalar_prefetch = 0 : i64, scratch_operands = 0 : i64, tpu.core_type = #tpu.core_type<tc>, window_params = [{transform_indices = @transform_0, window_bounds = array<i64: 2, 1000, 128>}, {transform_indices = @transform_1, window_bounds = array<i64: 1000, 128>}, {transform_indices = @transform_2, window_bounds = array<i64: 1000, 32>}, {pipeline_mode = #tpu.pipeline_mode<synchronous>, transform_indices = @transform_3, window_bounds = array<i64: 128, 128>}, {pipeline_mode = #tpu.pipeline_mode<synchronous>, transform_indices = @transform_4, window_bounds = array<i64: 1, 128>}, {pipeline_mode = #tpu.pipeline_mode<synchronous>, transform_indices = @transform_5, window_bounds = array<i64: 128, 128>}, {pipeline_mode = #tpu.pipeline_mode<synchronous>, transform_indices = @transform_6, window_bounds = array<i64: 1, 128>}, {transform_indices = @transform_7, window_bounds = array<i64: 1000, 128>}, {transform_indices = @transform_8, window_bounds = array<i64: 1000, 128>}]} {
    %get3A = arith.constant 0 : index
    %get3A_0 = arith.constant 0 : index
    %get3A_1 = arith.constant 0 : index
    %get3A_2 = vector.load %arg1[%get3A, %get3A_0, %get3A_1] : memref<2x1000x128xf32, #tpu.memory_space<vmem>>, vector<1x1000x128xf32>
    %get3A_3 = vector.shape_cast %get3A_2 : vector<1x1000x128xf32> to vector<1000x128xf32>
    %get3A_4 = arith.constant 1 : index
    %get3A_5 = arith.constant 0 : index
    %get3A_6 = arith.constant 0 : index
    %get3A_7 = vector.load %arg1[%get3A_4, %get3A_5, %get3A_6] : memref<2x1000x128xf32, #tpu.memory_space<vmem>>, vector<1x1000x128xf32>
    %get3A_8 = vector.shape_cast %get3A_7 : vector<1x1000x128xf32> to vector<1000x128xf32>
    %add3A = arith.addf %get3A_3, %get3A_8 : vector<1000x128xf32>
    %get3A_9 = arith.constant 0 : index
    %get3A_10 = arith.constant 0 : index
    %get3A_11 = vector.load %arg2[%get3A_9, %get3A_10] : memref<1000x128xf32, #tpu.memory_space<vmem>>, vector<1000x128xf32>
    %add3A_12 = arith.addf %add3A, %get3A_11 : vector<1000x128xf32>
    %get3A_13 = arith.constant 0 : index
    %get3A_14 = arith.constant 0 : index
    %get3A_15 = vector.load %arg3[%get3A_13, %get3A_14] : memref<1000x32xf32, #tpu.memory_space<vmem>>, vector<1000x32xf32>
    %reduce_sum3A = arith.constant dense<0.000000e+00> : vector<1000xf32>
    %reduce_sum3A_16 = vector.multi_reduction <add>, %get3A_15, %reduce_sum3A [1] : vector<1000x32xf32> to vector<1000xf32>
    %broadcast_in_dim3A = vector.shape_cast %reduce_sum3A_16 : vector<1000xf32> to vector<1000x1xf32>
    %add3A_17 = arith.constant 1.000000e+00 : f32
    %add3A_18 = vector.broadcast %add3A_17 : f32 to vector<1000x1xf32>
    %add3A_19 = arith.addf %broadcast_in_dim3A, %add3A_18 : vector<1000x1xf32>
    %div3A = vector.broadcast %add3A_19 : vector<1000x1xf32> to vector<1000x128xf32>
    %div3A_20 = arith.divf %add3A_12, %div3A : vector<1000x128xf32>
    %get3A_21 = arith.constant 0 : index
    %get3A_22 = arith.constant 0 : index
    %get3A_23 = vector.load %arg4[%get3A_21, %get3A_22] : memref<128x128xf32, #tpu.memory_space<vmem>>, vector<128x128xf32>
    %dot_general3A = arith.constant dense<0.000000e+00> : vector<1000x128xf32>
    %dot_general3A_24 = tpu.matmul %div3A_20, %get3A_23, %dot_general3A {dimension_numbers = #tpu.dot_dimension_numbers<[1], [0], [0], [1], [0, 0, 1, 1], [], []>, transpose_lhs_hint = false} : vector<1000x128xf32>, vector<128x128xf32>, vector<1000x128xf32> -> vector<1000x128xf32>
    %get3A_25 = arith.constant 0 : index
    %get3A_26 = arith.constant 0 : index
    %get3A_27 = vector.load %arg5[%get3A_25, %get3A_26] : memref<1x128xf32, #tpu.memory_space<vmem>>, vector<1x128xf32>
    %add3A_28 = vector.broadcast %get3A_27 : vector<1x128xf32> to vector<1000x128xf32>
    %add3A_29 = arith.addf %dot_general3A_24, %add3A_28 : vector<1000x128xf32>
    %max3A = arith.constant 0.000000e+00 : f32
    %max3A_30 = vector.broadcast %max3A : f32 to vector<1000x128xf32>
    %max3A_31 = arith.maximumf %add3A_29, %max3A_30 : vector<1000x128xf32>
    %swap3A = arith.constant 0 : index
    %swap3A_32 = arith.constant 0 : index
    %swap3A_33 = vector.load %arg8[%swap3A, %swap3A_32] : memref<1000x128xf32, #tpu.memory_space<vmem>>, vector<1000x128xf32>
    tpu.vector_store %arg8[%swap3A, %swap3A_32], %max3A_31 {strides = array<i32>} : memref<1000x128xf32, #tpu.memory_space<vmem>>, vector<1000x128xf32>,
    %get3A_34 = arith.constant 0 : index
    %get3A_35 = arith.constant 0 : index
    %get3A_36 = vector.load %arg6[%get3A_34, %get3A_35] : memref<128x128xf32, #tpu.memory_space<vmem>>, vector<128x128xf32>
    %dot_general3A_37 = arith.constant dense<0.000000e+00> : vector<1000x128xf32>
    %dot_general3A_38 = tpu.matmul %max3A_31, %get3A_36, %dot_general3A_37 {dimension_numbers = #tpu.dot_dimension_numbers<[1], [0], [0], [1], [0, 0, 1, 1], [], []>, transpose_lhs_hint = false} : vector<1000x128xf32>, vector<128x128xf32>, vector<1000x128xf32> -> vector<1000x128xf32>
    %get3A_39 = arith.constant 0 : index
    %get3A_40 = arith.constant 0 : index
    %get3A_41 = vector.load %arg7[%get3A_39, %get3A_40] : memref<1x128xf32, #tpu.memory_space<vmem>>, vector<1x128xf32>
    %add3A_42 = vector.broadcast %get3A_41 : vector<1x128xf32> to vector<1000x128xf32>
    %add3A_43 = arith.addf %dot_general3A_38, %add3A_42 : vector<1000x128xf32>
    %swap3A_44 = arith.constant 0 : index
    %swap3A_45 = arith.constant 0 : index
    %swap3A_46 = vector.load %arg9[%swap3A_44, %swap3A_45] : memref<1000x128xf32, #tpu.memory_space<vmem>>, vector<1000x128xf32>
    tpu.vector_store %arg9[%swap3A_44, %swap3A_45], %add3A_43 {strides = array<i32>} : memref<1000x128xf32, #tpu.memory_space<vmem>>, vector<1000x128xf32>,
    return
  }
  func.func @transform_0(%arg0: i32) -> (i32, i32, i32) {
    %c0_i32 = arith.constant 0 : i32
    %c0_i32_0 = arith.constant 0 : i32
    %c0_i32_1 = arith.constant 0 : i32
    return %c0_i32, %arg0, %c0_i32_0 : i32, i32, i32
  }
  func.func @transform_1(%arg0: i32) -> (i32, i32) {
    %c0_i32 = arith.constant 0 : i32
    %c0_i32_0 = arith.constant 0 : i32
    return %arg0, %c0_i32 : i32, i32
  }
  func.func @transform_2(%arg0: i32) -> (i32, i32) {
    %c0_i32 = arith.constant 0 : i32
    %c0_i32_0 = arith.constant 0 : i32
    return %arg0, %c0_i32 : i32, i32
  }
  func.func @transform_3(%arg0: i32) -> (i32, i32) {
    %c0_i32 = arith.constant 0 : i32
    %c0_i32_0 = arith.constant 0 : i32
    %c0_i32_1 = arith.constant 0 : i32
    return %c0_i32, %c0_i32_0 : i32, i32
  }
  func.func @transform_4(%arg0: i32) -> (i32, i32) {
    %c0_i32 = arith.constant 0 : i32
    %c0_i32_0 = arith.constant 0 : i32
    %c0_i32_1 = arith.constant 0 : i32
    return %c0_i32, %c0_i32_0 : i32, i32
  }
  func.func @transform_5(%arg0: i32) -> (i32, i32) {
    %c0_i32 = arith.constant 0 : i32
    %c0_i32_0 = arith.constant 0 : i32
    %c0_i32_1 = arith.constant 0 : i32
    return %c0_i32, %c0_i32_0 : i32, i32
  }
  func.func @transform_6(%arg0: i32) -> (i32, i32) {
    %c0_i32 = arith.constant 0 : i32
    %c0_i32_0 = arith.constant 0 : i32
    %c0_i32_1 = arith.constant 0 : i32
    return %c0_i32, %c0_i32_0 : i32, i32
  }
  func.func @transform_7(%arg0: i32) -> (i32, i32) {
    %c0_i32 = arith.constant 0 : i32
    %c0_i32_0 = arith.constant 0 : i32
    return %arg0, %c0_i32 : i32, i32
  }
  func.func @transform_8(%arg0: i32) -> (i32, i32) {
    %c0_i32 = arith.constant 0 : i32
    %c0_i32_0 = arith.constant 0 : i32
    return %arg0, %c0_i32 : i32, i32
  }
}

</mosaic_0001>

<sc_bundles>
// kernel: sc_seg_sum.3.cloned.1.call-start
scs
__scs_entry_jumppad:
0x0: {  	(pc) =	sbr.rel $0x88, $3  }
0x1: {  	(tag) =	ssettag $0x0;
	lr =	simm.s32 $0x1  }
0x2: {  	[smem:$0x3F99] =	sst lr;
	_ =	strace $0xD0000000  }
0x3: {  	_ = 	snop  }
0x4: {  	_ = 	snop  }
0x5: {  	_ = 	snop  }
0x6: {  	_ = 	snop  }
0x7: {  	_ = 	snop  }
__scs_overlays_trampoline_lowered:
0x8: {  	[smem:$0x3FA8] =	sst s0  }
0x9: {  	[smem:$0x3FA9] =	sst s1  }
0xa: {  	[smem:$0x3FAA] =	sst s2  }
0xb: {  	[smem:$0x3FAB] =	sst s3  }
0xc: {  	[smem:$0x3FAC] =	sst s4  }
0xd: {  	[smem:$0x3FAD] =	sst s5  }
0xe: {  	[smem:$0x3FAE] =	sst s6  }
0xf: {  	[smem:$0x3FAF] =	sst s7  }
0x10: {  	[smem:$0x3FB0] =	sst s8  }
0x11: {  	[smem:$0x3FB1] =	sst s9;
	s0 =	simm.s32 @!p0 $0x0  }
0x12: {  	s1 =	sld [smem:$0x3F97];
	s0 =	simm.s32 @p0 $0x1  }
0x13: {  	[smem:$0x3FB2] =	sst s0;
	s0 =	simm.s32 @!p1 $0x0  }
0x14: {  	s2 =	sld [smem:$0x3F96];
	s0 =	simm.s32 @p1 $0x1  }
0x15: {  	[smem:$0x3FB3] =	sst s0;
	s0 =	simm.s32 @!p2 $0x0  }
0x16: {  	s3 =	sld [smem:$0x3FDB];
	s0 =	simm.s32 @p2 $0x1  }
0x17: {  	s4 =	simm.s32 $0x1BF5;
	[smem:$0x3FB5] =	sst s0  }
0x18: {  	s0 =	sld [smem:$0x3F98];
	_ =	swait.ge [sflag:s4], $0x0  }
0x19: {  	s7 =	sld [smem:$0x3F99]  }
0x1a: {  	s8 =	sadd.s32 $0xFFFFE003, lr  }
0x1b: {  	s9 =	sadd.s32 $0xFFFFFEF7, lr;
	s5 =	simm.s32 $0xFFFFFFFF;
	p2 =	slt.u32 s8, $0xFFFFF086  }
0x1c: {  	p1 =	slt.u32 s9, $0xF7A;
	s5 =	simm.s32 @!p2 $0x0  }
0x1d: {  	s5 =	simm.s32 @p1 $0x1;
	p0 =	seq.s32 s7, s2  }
0x1e: {  	s7 =	smul.u32 @!p0 $0xF7A, s2;
	p2 =	seq.s32 @!p0 s5, $0x0  }
0x1f: {  	s9 =	smul.u32 $0xF7A, s1;
	s8 =	simm.s32 @!p0 $0x1BF5;
	p2 =	por !p2, p0  }
0x20: {  	[sflag:s8] =	ssyncset.s32 @!p0 $0xFFFFF086;
	s6 =	sadd.s32 @!p0 s3, s7;
	s7 =	simm.s32 @!p0 $0x108  }
0x21: {  	s3 =	sadd.s32 s3, s9;
	s6 =	sadd.s32 @!p0 $0x88, s6;
	s7 =	simm.s32 @p2 $0x1082  }
0x22: {  	[simem:s7], [sflag:s8] =	dma.local @!p0 [hbm:s6], $0xF7A  }
0x23: {  	s9 =	sor.u32 $0xD0000000, s2;
	s6 =	simm.s32 $0x108;
	_ =	swait.ge @!p0 [sflag:s8], $0x0  }
0x24: {  	s3 =	sadd.s32 $0x88, s3;
	s6 =	simm.s32 @!p1 $0x1082;
	[sflag:s4] =	ssyncset.s32 $0xFFFFF086  }
0x25: {  	[simem:s6], [sflag:s4] =	dma.local [hbm:s3], $0xF7A  }
0x26: {  	[smem:$0x3F99] =	sst s1;
	(tag) =	ssettag s2;
	_ =	strace s9  }
0x27: {  	s1 =	sld [smem:$0x3FA9]  }
0x28: {  	s2 =	sld [smem:$0x3FAA]  }
0x29: {  	s4 =	sld [smem:$0x3FAC]  }
0x2a: {  	p0 =	seq.s32 s5, $0x0;
	s5 =	sld [smem:$0x3FAD]  }
0x2b: {  	s6 =	sld [smem:$0x3FAE]  }
0x2c: {  	s7 =	sld [smem:$0x3FAF]  }
0x2d: {  	s3 =	simm.s32 $0x108;
	s8 =	sld [smem:$0x3FB0]  }
0x2e: {  	s3 =	simm.s32 @!p0 $0x1082;
	s9 =	sld [smem:$0x3FB1]  }
0x2f: {  	lr =	sadd.s32 s0, s3;
	s0 =	sld [smem:$0x3FA8]  }
0x30: {  	s3 =	sld [smem:$0x3FAB]  }
0x31: {  	[smem:$0x3FB4] =	sst s10  }
0x32: {  	s10 =	sld [smem:$0x3FB2];
	_ =	sdelay $0x3  }
0x33: {  	p0 =	seq.s32 s10, $0x1;
	s10 =	sld [smem:$0x3FB4];
	_ =	sdelay $0x3  }
0x34: {  	[smem:$0x3FB4] =	sst s10  }
0x35: {  	s10 =	sld [smem:$0x3FB3];
	_ =	sdelay $0x3  }
0x36: {  	p1 =	seq.s32 s10, $0x1;
	s10 =	sld [smem:$0x3FB4];
	_ =	sdelay $0x3  }
0x37: {  	[smem:$0x3FB4] =	sst s10  }
0x38: {  	s10 =	sld [smem:$0x3FB5]  }
0x39: {  	_ = 	snop;
	(pc) =	sbr.ind lr, $3  }
0x3a: {  	_ = 	snop  }
0x3b: {  	_ = 	snop  }
0x3c: {  	p2 =	seq.s32 s10, $0x1;
	s10 =	sld [smem:$0x3FB4]  }
0x3d: {  	_ =	shalt  }
0x3e: {  	_ =	shalt  }
0x3f: {  	_ =	shalt  }
0x40: {  	_ =	shalt  }
0x41: {  	_ =	shalt  }
0x42: {  	_ =	shalt  }
0x43: {  	_ =	shalt  }
0x44: {  	_ =	shalt  }
0x45: {  	_ =	shalt  }
0x46: {  	_ =	shalt  }
0x47: {  	_ =	shalt  }
0x48: {  	_ =	shalt  }
0x49: {  	_ =	shalt  }
0x4a: {  	_ =	shalt  }
0x4b: {  	_ =	shalt  }
0x4c: {  	_ =	shalt  }
0x4d: {  	_ =	shalt  }
0x4e: {  	_ =	shalt  }
0x4f: {  	_ =	shalt  }
0x50: {  	_ =	shalt  }
0x51: {  	_ =	shalt  }
0x52: {  	_ =	shalt  }
0x53: {  	_ =	shalt  }
0x54: {  	_ =	shalt  }
0x55: {  	_ =	shalt  }
0x56: {  	_ =	shalt  }
0x57: {  	_ =	shalt  }
0x58: {  	_ =	shalt  }
0x59: {  	_ =	shalt  }
0x5a: {  	_ =	shalt  }
0x5b: {  	_ =	shalt  }
0x5c: {  	_ =	shalt  }
0x5d: {  	_ =	shalt  }
0x5e: {  	_ =	shalt  }
0x5f: {  	_ =	shalt  }
0x60: {  	_ =	shalt  }
0x61: {  	_ =	shalt  }
0x62: {  	_ =	shalt  }
0x63: {  	_ =	shalt  }
0x64: {  	_ =	shalt  }
0x65: {  	_ =	shalt  }
0x66: {  	_ =	shalt  }
0x67: {  	_ =	shalt  }
0x68: {  	_ =	shalt  }
0x69: {  	_ =	shalt  }
0x6a: {  	_ =	shalt  }
0x6b: {  	_ =	shalt  }
0x6c: {  	_ =	shalt  }
0x6d: {  	_ =	shalt  }
0x6e: {  	_ =	shalt  }
0x6f: {  	_ =	shalt  }
0x70: {  	_ =	shalt  }
0x71: {  	_ =	shalt  }
0x72: {  	_ =	shalt  }
0x73: {  	_ =	shalt  }
0x74: {  	_ =	shalt  }
0x75: {  	_ =	shalt  }
0x76: {  	_ =	shalt  }
0x77: {  	_ =	shalt  }
0x78: {  	_ =	shalt  }
0x79: {  	_ =	shalt  }
0x7a: {  	_ =	shalt  }
0x7b: {  	_ =	shalt  }
0x7c: {  	_ =	shalt  }
0x7d: {  	_ =	shalt  }
0x7e: {  	_ =	shalt  }
0x7f: {  	_ =	shalt  }
0x80: {  	_ =	shalt  }
0x81: {  	_ =	shalt  }
0x82: {  	_ =	shalt  }
0x83: {  	_ =	shalt  }
0x84: {  	_ =	shalt  }
0x85: {  	_ =	shalt  }
0x86: {  	_ =	shalt  }
0x87: {  	_ =	shalt  }
.Lfunc_end0:
.L_simem_size_0:
called_computation.1_lowered:
.L_overlay_start_0:
0x88: {  	s2 =	sld [smem:$0x3FD9]  }
0x89: {  	s3 =	sld [smem:$0x3FFE];
	_ =	sdelay $0x1  }
0x8a: {  	s1 =	srdreg.scid  }
0x8b: {  	s0 =	sand.u32 $0x1, s1  }
0x8c: {  	s14 =	sshll.u32 s0, $0xA;
	s2 =	sadd.s32 s3, s2  }
0x8d: {  	s2 =	sadd.s32 s2, s14  }
0x8e: {  	[smem:$0x3FC0] =	sst s2  }
0x8f: {  	_ = 	snop  }
0x90: {  	s2 =	sld [smem:$0x3FD0];
	_ =	sdelay $0x2  }
0x91: {  	s15 =	simm.s32 $0xA;
	s4 =	simm.s32 $0x10  }
0x92: {  	[smem:s4], [sflag:s15] =	dma.local [hbm:s2], $0x1  }
0x93: {  	_ =	swait.eq [sflag:s15], $0x1  }
0x94: {  	[sflag:s15] =	ssyncset.done $0x0  }
0x95: {  	[sflag:s15] =	ssyncadd.s32 $0xFFFFFFFF  }
0x96: {  	s16 =	sld [smem:$0x11];
	(tm) =	ssettm $0x1  }
0x97: {  	s17 =	sld [smem:$0x3FFB];
	_ =	sdelay $0x3  }
0x98: {  	_ =	strace s17  }
0x99: {  	s3 =	sld [smem:$0x3FFC];
	_ =	sdelay $0x3  }
0x9a: {  	_ =	strace s3  }
0x9b: {  	s3 =	sld [smem:$0x3FFD];
	_ =	sdelay $0x3  }
0x9c: {  	_ =	strace s3  }
0x9d: {  	_ =	strace $0x8FFFFFFF  }
0x9e: {  	s18 =	sld [smem:$0x3FDB];
	_ =	sdelay $0x1  }
0x9f: {  	s19 =	simm.s32 $_scs_section_size  }
0xa0: {  	s5 =	simm.s32 $_size__tile_overlayer_lowered;
	s6 =	simm.s32 $_tile_overlayer_lowered  }
0xa1: {  	s22 =	simm.s32 $0x1BFF;
	s21 =	sshll.u32 s6, $0x1;
	s3 =	sadd.s32 s19, s18  }
0xa2: {  	s7 =	simm.s32 $0x0;
	s20 =	sshll.u32 s5, $0x1;
	s5 =	sadd.s32 s21, s3  }
0xa3: {  	[timem:s7], [sflag:s22] =	dma.local [hbm:s5], s20  }
0xa4: {  	_ =	swait.ge [sflag:s22], s20  }
0xa5: {  	s4 =	ssub.s32 $0x0, s20;
	[sflag:s22] =	ssyncset.done $0x0  }
0xa6: {  	[sflag:s22] =	ssyncadd.s32 s4;
	_ =	sdelay $0x1  }
0xa7: {  	s23 =	simm.s32 $0x1B8B  }
0xa8: {  	_ =	swait.ge [sflag:s23], $0x1  }
0xa9: {  	[sflag:s23] =	ssyncset.done $0x0  }
0xaa: {  	s25 =	simm.s32 $0x1B8E;
	s24 =	sld [smem:$0x3FFE];
	[sflag:s23] =	ssyncadd.s32 $0xFFFFFFFF  }
0xab: {  	s26 =	simm.s32 $execute0_lowered;
	[smem:$0x3FD2] =	sst s25  }
0xac: {  	s5 =	sshll.u32 s26, $0x1;
	_ =	strace $0x80000049;
	[dreg:$0x1] =	wrdreg $0xFFFFFFFF  }
0xad: {  	s28 =	simm.s32 $_size_execute0_lowered;
	s3 =	sadd.s32 s3, s5;
	[dreg:$0x0] =	wrdreg $0x0  }
0xae: {  	s5 =	sshll.u32 s28, $0x1;
	[dreg:$0x2] =	wrdreg s3  }
0xaf: {  	[dreg:$0x3] =	wrdreg s5  }
0xb0: {  	[dreg:$0x4] =	wrdreg $0xC0  }
0xb1: {  	_ =	task [dreg:s7], $0x5FFFF  }
0xb2: {  	[dreg:$0x1] =	wrdreg $0xFFFFFFFF  }
0xb3: {  	[dreg:$0x0] =	wrdreg $0x60  }
0xb4: {  	[dreg:$0x2] =	wrdreg s24  }
0xb5: {  	[dreg:$0x3] =	wrdreg s16  }
0xb6: {  	[dreg:$0x4] =	wrdreg $0x29000  }
0xb7: {  	[dreg:$0x5] =	wrdreg $0x9  }
0xb8: {  	_ =	task.clear_ibuf [dreg:s7], $0x6FFFF;
	_ =	strace $0x90000049  }
0xb9: {  	s29 =	simm.s32 $0x9;
	_ =	strace $0x8000004B  }
0xba: {  	_ =	swait.ge [sflag:s29], $0x1  }
0xbb: {  	[sflag:s29] =	ssyncadd.s32 $0xFFFFFFFF  }
0xbc: {  	_ =	strace $0x9000004B  }
0xbd: {  	_ =	sfence  }
0xbe: {  	s30 =	sld [smem:$0x0];
	_ =	sdelay $0x2  }
0xbf: {  	s31 =	sshll.u32 s1, $0xD;
	s1 =	sshrl.u32 s1, $0x2  }
0xc0: {  	s3 =	sand.u32 $0x4000, s31;
	s1 =	sadd.s32 s1, s30  }
0xc1: {  	s0 =	sor.u32 s3, s0;
	s1 =	sshll.u32 s1, $0x11  }
0xc2: {  	s0 =	sor.u32 s1, s0  }
0xc3: {  	s0 =	sadd.s32 $0x8F2B, s0  }
0xc4: {  	[sflag:s0] =	ssyncadd.remote.s32 $0x1  }
0xc5: {  	_ =	sfence.sel $0xFFFF  }
0xc6: {  	[dreg:$0x0] =	wrdreg $0xFFFFFFFF;
	(pc) =	sbr.abs _section_cstart, $3  }
0xc7: {  	[dreg:$0x1] =	wrdreg $0xFFFFFFFF  }
0xc8: {  	_ =	task.clear_ibuf [dreg:s7], $0x2FFFF;
	_ =	strace $0x9FFFFFFF  }
0xc9: {  	(tm) =	ssettm $0x7FFFFFFF  }
tec
execute0_lowered:
.L_overlay_start_1:
0x0: {  	(tag) =	ssettag $0x1  }
0x1: {  	s0 =	rddreg [dreg:$0x0]  }
0x2: {  	s1 =	srdreg.scid;
	s2 =	rddreg [dreg:$0x1]  }
0x3: {  	s9 =	stileid.u32;
	s3 =	rddreg [dreg:$0x2]  }
0x4: {  	s4 =	simm.s32 $0x0;
	s28 =	simm.s32 $0x80;
	s6 =	smul.u32 $0x2710, s9  }
0x5: {  	s29 =	simm.s32 $0x50;
	s30 =	simm.s32 $0x1;
	s22 =	smul.u32 $0x50000, s9  }
0x6: {  	s31 =	simm.s32 $0x0;
	s1 =	sand.u32 $0x1, s1;
	s13 =	smul.u32 $0x14000, s9  }
0x7: {  	[smem:$0x7FF] =	sst s4;
	s23 =	sadd.s32 $0x15400, s0;
	s5 =	smul.u32 $0x27100, s1  }
0x8: {  	_ =	strace $0x8000004A;
	[dreg:$0x4] =	wrdreg s23;
	s7 =	ssub.s32 $0x2, s1  }
0x9: {  	s1 =	smul.u32 $0x140000, s1;
	s8 =	sshrl.u32 s7, $0x1;
	s14 =	sor.u32 $0x2800, s13  }
0xa: {  	s16 =	sadd.s32 $0x5000, s13;
	s17 =	sadd.s32 $0x7800, s13;
	s18 =	sadd.s32 $0xA000, s13  }
0xb: {  	s19 =	sadd.s32 $0xC800, s13;
	s20 =	sadd.s32 $0xF000, s13;
	s21 =	sadd.s32 $0x11800, s13  }
0xc: {  	s5 =	sadd.s32 s6, s5;
	s6 =	sshrl.u32 s22, $0x2;
	s22 =	ssub.s32 s7, s8  }
0xd: {  	s7 =	sadd.s32 s14, s3;
	s8 =	sadd.s32 s16, s3;
	s9 =	sadd.s32 s17, s3  }
0xe: {  	s10 =	sadd.s32 s18, s3;
	s11 =	sadd.s32 s19, s3;
	s12 =	sadd.s32 s20, s3  }
0xf: {  	s15 =	sadd.s32 s13, s1;
	s14 =	sadd.s32 s1, s14;
	s13 =	sadd.s32 s21, s3  }
0x10: {  	s16 =	sadd.s32 s1, s16;
	s17 =	sadd.s32 s1, s17;
	s18 =	sadd.s32 s1, s18  }
0x11: {  	s19 =	sadd.s32 s1, s19;
	s20 =	sadd.s32 s1, s20;
	s1 =	sadd.s32 s1, s21  }
0x12: {  	s5 =	sshrl.u32 s5, $0x3;
	s6 =	sadd.s32 s6, s3;
	s15 =	sshrl.u32 s15, $0x3  }
0x13: {  	s23 =	sshrl.u32 s14, $0x3;
	s16 =	sshrl.u32 s16, $0x3;
	s17 =	sshrl.u32 s17, $0x3  }
0x14: {  	s18 =	sshrl.u32 s18, $0x3;
	s19 =	sshrl.u32 s19, $0x3;
	s20 =	sshrl.u32 s20, $0x3  }
0x15: {  	s1 =	sshrl.u32 s1, $0x3;
	s24 =	sadd.s32 s5, s0;
	s0 =	sadd.s32 $0x15A00, s0  }
0x16: {  	s22 =	smax.u32 s22, $0x1;
	s25 =	sadd.s32 s0, s15;
	s26 =	sadd.s32 s0, s23  }
0x17: {  	s16 =	sadd.s32 s0, s16;
	s17 =	sadd.s32 s0, s17;
	s18 =	sadd.s32 s0, s18  }
0x18: {  	s19 =	sadd.s32 s0, s19;
	s20 =	sadd.s32 s0, s20;
	s21 =	sadd.s32 s0, s1  }
0x19: {  	s23 =	sadd.s32 $0x1800, s24;
	s24 =	sadd.s32 $0xB600, s24;
	[dreg:$0x5] =	wrdreg s25  }
0x1a: {  	[dreg:$0x6] =	wrdreg s26;
	s25 =	simm.s32 $0x100;
	s26 =	simm.s32 $0x2  }
.LBB2_1:
0x1b: {  	s0 =	rddreg [dreg:$0x4]  }
0x1c: {  	[tilespmem:s25], [sflag:$0x2] =	stream.linear.gather [hbm4b:s0+s4], $0x2800, $0x38;
	[tilespmem:$0x16900] =	vst v63  }
0x1d: {  	_ =	swait.ge [sflag:s26], $0x2800  }
0x1e: {  	[sflag:s26] =	ssyncset.done $0x0  }
0x1f: {  	[sflag:s26] =	ssyncadd.s32 $0xFFFFD800  }
0x20: {  	[spmem:s6] =	stream.linear.scatter [tilespmem:s25], [sflag:$0x2], $0x2800, $0x38;
	[tilespmem:$0x16900] =	vst v63  }
0x21: {  	_ =	swait.ge [sflag:s26], $0x2800  }
0x22: {  	[sflag:s26] =	ssyncset.done $0x0  }
0x23: {  	[sflag:s26] =	ssyncadd.s32 $0xFFFFD800  }
0x24: {  	[spmem:s7] =	stream.linear.scatter [tilespmem:s25], [sflag:$0x2], $0x2800, $0x38;
	[tilespmem:$0x16900] =	vst v63  }
0x25: {  	_ =	swait.ge [sflag:s26], $0x2800  }
0x26: {  	[sflag:s26] =	ssyncset.done $0x0  }
0x27: {  	[sflag:s26] =	ssyncadd.s32 $0xFFFFD800  }
0x28: {  	[spmem:s8] =	stream.linear.scatter [tilespmem:s25], [sflag:$0x2], $0x2800, $0x38;
	[tilespmem:$0x16900] =	vst v63  }
0x29: {  	_ =	swait.ge [sflag:s26], $0x2800  }
0x2a: {  	[sflag:s26] =	ssyncset.done $0x0  }
0x2b: {  	[sflag:s26] =	ssyncadd.s32 $0xFFFFD800  }
0x2c: {  	[spmem:s9] =	stream.linear.scatter [tilespmem:s25], [sflag:$0x2], $0x2800, $0x38;
	[tilespmem:$0x16900] =	vst v63  }
0x2d: {  	_ =	swait.ge [sflag:s26], $0x2800  }
0x2e: {  	[sflag:s26] =	ssyncset.done $0x0  }
0x2f: {  	[sflag:s26] =	ssyncadd.s32 $0xFFFFD800  }
0x30: {  	[spmem:s10] =	stream.linear.scatter [tilespmem:s25], [sflag:$0x2], $0x2800, $0x38;
	[tilespmem:$0x16900] =	vst v63  }
0x31: {  	_ =	swait.ge [sflag:s26], $0x2800  }
0x32: {  	[sflag:s26] =	ssyncset.done $0x0  }
0x33: {  	[sflag:s26] =	ssyncadd.s32 $0xFFFFD800  }
0x34: {  	[spmem:s11] =	stream.linear.scatter [tilespmem:s25], [sflag:$0x2], $0x2800, $0x38;
	[tilespmem:$0x16900] =	vst v63  }
0x35: {  	_ =	swait.ge [sflag:s26], $0x2800  }
0x36: {  	[sflag:s26] =	ssyncset.done $0x0  }
0x37: {  	[sflag:s26] =	ssyncadd.s32 $0xFFFFD800  }
0x38: {  	[spmem:s12] =	stream.linear.scatter [tilespmem:s25], [sflag:$0x2], $0x2800, $0x38;
	[tilespmem:$0x16900] =	vst v63  }
0x39: {  	_ =	swait.ge [sflag:s26], $0x2800  }
0x3a: {  	[sflag:s26] =	ssyncset.done $0x0  }
0x3b: {  	[sflag:s26] =	ssyncadd.s32 $0xFFFFD800  }
0x3c: {  	[spmem:s13] =	stream.linear.scatter [tilespmem:s25], [sflag:$0x2], $0x2800, $0x38;
	[tilespmem:$0x16900] =	vst v63  }
0x3d: {  	_ =	swait.ge [sflag:s26], $0x2800  }
0x3e: {  	[sflag:s26] =	ssyncset.done $0x0  }
0x3f: {  	[sflag:s26] =	ssyncadd.s32 $0xFFFFD800  }
0x40: {  	s14 =	sadd.s32 $0x0, s24;
	[bflag:$0x0] =	sbarrier.arrive $0xFFFF  }
0x41: {  	[tilespmem:s4], [sflag:$0x2] =	stream.linear.gather [hbm4b:s14+s4], $0x50, $0x38;
	[tilespmem:$0x16900] =	vst v63  }
0x42: {  	_ =	swait.ge [sflag:s26], $0x50  }
0x43: {  	[sflag:s26] =	ssyncset.done $0x0  }
0x44: {  	s15 =	sadd.s32 $0x0, s23;
	[sflag:s26] =	ssyncadd.s32 $0xFFFFFFB0  }
0x45: {  	[tilespmem:s28], [sflag:$0x2] =	stream.linear.gather [hbm4b:s15+s4], $0x50, $0x38;
	[tilespmem:$0x16900] =	vst v63  }
0x46: {  	_ =	swait.ge [sflag:s26], $0x50  }
0x47: {  	[sflag:s26] =	ssyncset.done $0x0  }
0x48: {  	[sflag:s26] =	ssyncadd.s32 $0xFFFFFFB0  }
0x49: {  	[tilespmem:s25], [sflag:$0x1] =	stream.indirect.gather [hbm4b:s2+s29], $0x80, s4, s29, $0xb8;
	[tilespmem:$0x16900] =	vst v63  }
0x4a: {  	_ =	swait.ge [sflag:s30], $0x2800  }
0x4b: {  	[sflag:s30] =	ssyncset.done $0x0  }
0x4c: {  	[sflag:s30] =	ssyncadd.s32 $0xFFFFD800  }
0x4d: {  	[spmem:s3] =	stream.indirect.scatter.add.f32 [tilespmem:s25], [sflag:$0x2], $0x80, s28, s29, $0xb8;
	[tilespmem:$0x16900] =	vst v63  }
0x4e: {  	_ =	swait.ge [sflag:s26], $0x2800  }
0x4f: {  	s1 =	simm.s32 $0xA;
	s0 =	simm.s32 $0x14;
	[sflag:s26] =	ssyncset.done $0x0  }
.LBB2_2:
0x50: {  	s5 =	sadd.s32 s1, s24  }
0x51: {  	[sflag:s26] =	ssyncadd.s32 $0xFFFFD800;
	s14 =	smov.u32 s0;
	s15 =	sadd.s32 $0xA, s0  }
0x52: {  	[tilespmem:s4], [sflag:$0x2] =	stream.linear.gather [hbm4b:s5+s4], $0x50, $0x38;
	[tilespmem:$0x16900] =	vst v63  }
0x53: {  	p0 =	sne.s32 s0, $0x4D8;
	_ =	swait.ge [sflag:s26], $0x50  }
0x54: {  	[sflag:s26] =	ssyncset.done $0x0  }
0x55: {  	s0 =	sadd.s32 s1, s23;
	s1 =	smov.u32 s14;
	[sflag:s26] =	ssyncadd.s32 $0xFFFFFFB0  }
0x56: {  	[tilespmem:s28], [sflag:$0x2] =	stream.linear.gather [hbm4b:s0+s4], $0x50, $0x38;
	[tilespmem:$0x16900] =	vst v63  }
0x57: {  	_ =	swait.ge [sflag:s26], $0x50  }
0x58: {  	[sflag:s26] =	ssyncset.done $0x0  }
0x59: {  	[sflag:s26] =	ssyncadd.s32 $0xFFFFFFB0  }
0x5a: {  	[tilespmem:s25], [sflag:$0x1] =	stream.indirect.gather [hbm4b:s2+s29], $0x80, s4, s29, $0xb8;
	[tilespmem:$0x16900] =	vst v63  }
0x5b: {  	_ =	swait.ge [sflag:s30], $0x2800  }
.Ltmp0:
0x5c: {  	[sflag:s30] =	ssyncset.done $0x0;
	(pc) =	sbr.rel @p0 .LBB2_2-.Ltmp0, $4  }
0x5d: {  	[sflag:s30] =	ssyncadd.s32 $0xFFFFD800  }
0x5e: {  	[spmem:s3] =	stream.indirect.scatter.add.f32 [tilespmem:s25], [sflag:$0x2], $0x80, s28, s29, $0xb8;
	[tilespmem:$0x16900] =	vst v63  }
0x5f: {  	_ =	swait.ge [sflag:s26], $0x2800  }
0x60: {  	s0 =	smov.u32 s15;
	[sflag:s26] =	ssyncset.done $0x0  }
0x61: {  	s0 =	sadd.s32 s1, s24;
	[sflag:s26] =	ssyncadd.s32 $0xFFFFD800  }
0x62: {  	[tilespmem:s4], [sflag:$0x2] =	stream.linear.gather [hbm4b:s0+s4], $0x50, $0x38;
	[tilespmem:$0x16900] =	vst v63  }
0x63: {  	_ =	swait.ge [sflag:s26], $0x50  }
0x64: {  	[sflag:s26] =	ssyncset.done $0x0  }
0x65: {  	s5 =	sadd.s32 s1, s23;
	[sflag:s26] =	ssyncadd.s32 $0xFFFFFFB0  }
0x66: {  	[tilespmem:s28], [sflag:$0x2] =	stream.linear.gather [hbm4b:s5+s4], $0x50, $0x38;
	[tilespmem:$0x16900] =	vst v63  }
0x67: {  	_ =	swait.ge [sflag:s26], $0x50  }
0x68: {  	[sflag:s26] =	ssyncset.done $0x0  }
0x69: {  	[sflag:s26] =	ssyncadd.s32 $0xFFFFFFB0  }
0x6a: {  	[tilespmem:s25], [sflag:$0x1] =	stream.indirect.gather [hbm4b:s2+s29], $0x80, s4, s29, $0xb8;
	[tilespmem:$0x16900] =	vst v63  }
0x6b: {  	_ =	swait.ge [sflag:s30], $0x2800  }
0x6c: {  	[sflag:s30] =	ssyncset.done $0x0  }
0x6d: {  	[sflag:s30] =	ssyncadd.s32 $0xFFFFD800  }
0x6e: {  	[spmem:s3] =	stream.indirect.scatter.add.f32 [tilespmem:s25], [sflag:$0x2], $0x80, s28, s29, $0xb8;
	[tilespmem:$0x16900] =	vst v63  }
0x6f: {  	_ =	swait.ge [sflag:s26], $0x2800  }
0x70: {  	[sflag:s26] =	ssyncset.done $0x0  }
0x71: {  	[sflag:s26] =	ssyncadd.s32 $0xFFFFD800  }
0x72: {  	[bflag:$0x0] =	sbarrier.arrive $0xFFFF  }
0x73: {  	[tilespmem:s25], [sflag:$0x2] =	stream.linear.gather [spmem:s6], $0x2800, $0x38;
	[tilespmem:$0x16900] =	vst v63  }
0x74: {  	_ =	swait.ge [sflag:s26], $0x2800  }
0x75: {  	[sflag:s26] =	ssyncset.done $0x0  }
0x76: {  	s14 =	rddreg [dreg:$0x5];
	[sflag:s26] =	ssyncadd.s32 $0xFFFFD800  }
0x77: {  	[hbm4b:s14+s4] =	stream.linear.scatter [tilespmem:s25], [sflag:$0x2], $0x2800, $0x38;
	[tilespmem:$0x16900] =	vst v63  }
0x78: {  	_ =	swait.ge [sflag:s26], $0x2800  }
0x79: {  	[sflag:s26] =	ssyncset.done $0x0  }
0x7a: {  	[sflag:s26] =	ssyncadd.s32 $0xFFFFD800  }
0x7b: {  	[tilespmem:s25], [sflag:$0x2] =	stream.linear.gather [spmem:s7], $0x2800, $0x38;
	[tilespmem:$0x16900] =	vst v63  }
0x7c: {  	_ =	swait.ge [sflag:s26], $0x2800  }
0x7d: {  	[sflag:s26] =	ssyncset.done $0x0  }
0x7e: {  	s15 =	rddreg [dreg:$0x6];
	[sflag:s26] =	ssyncadd.s32 $0xFFFFD800  }
0x7f: {  	[hbm4b:s15+s4] =	stream.linear.scatter [tilespmem:s25], [sflag:$0x2], $0x2800, $0x38;
	[tilespmem:$0x16900] =	vst v63  }
0x80: {  	_ =	swait.ge [sflag:s26], $0x2800  }
0x81: {  	[sflag:s26] =	ssyncset.done $0x0  }
0x82: {  	[sflag:s26] =	ssyncadd.s32 $0xFFFFD800  }
0x83: {  	[tilespmem:s25], [sflag:$0x2] =	stream.linear.gather [spmem:s8], $0x2800, $0x38;
	[tilespmem:$0x16900] =	vst v63  }
0x84: {  	_ =	swait.ge [sflag:s26], $0x2800  }
0x85: {  	[sflag:s26] =	ssyncset.done $0x0  }
0x86: {  	[sflag:s26] =	ssyncadd.s32 $0xFFFFD800  }
0x87: {  	[hbm4b:s16+s4] =	stream.linear.scatter [tilespmem:s25], [sflag:$0x2], $0x2800, $0x38;
	[tilespmem:$0x16900] =	vst v63  }
0x88: {  	_ =	swait.ge [sflag:s26], $0x2800  }
0x89: {  	[sflag:s26] =	ssyncset.done $0x0  }
0x8a: {  	[sflag:s26] =	ssyncadd.s32 $0xFFFFD800  }
0x8b: {  	[tilespmem:s25], [sflag:$0x2] =	stream.linear.gather [spmem:s9], $0x2800, $0x38;
	[tilespmem:$0x16900] =	vst v63  }
0x8c: {  	_ =	swait.ge [sflag:s26], $0x2800  }
0x8d: {  	[sflag:s26] =	ssyncset.done $0x0  }
0x8e: {  	[sflag:s26] =	ssyncadd.s32 $0xFFFFD800  }
0x8f: {  	[hbm4b:s17+s4] =	stream.linear.scatter [tilespmem:s25], [sflag:$0x2], $0x2800, $0x38;
	[tilespmem:$0x16900] =	vst v63  }
0x90: {  	_ =	swait.ge [sflag:s26], $0x2800  }
0x91: {  	[sflag:s26] =	ssyncset.done $0x0  }
0x92: {  	[sflag:s26] =	ssyncadd.s32 $0xFFFFD800  }
0x93: {  	[tilespmem:s25], [sflag:$0x2] =	stream.linear.gather [spmem:s10], $0x2800, $0x38;
	[tilespmem:$0x16900] =	vst v63  }
0x94: {  	_ =	swait.ge [sflag:s26], $0x2800  }
0x95: {  	[sflag:s26] =	ssyncset.done $0x0  }
0x96: {  	[sflag:s26] =	ssyncadd.s32 $0xFFFFD800  }
0x97: {  	[hbm4b:s18+s4] =	stream.linear.scatter [tilespmem:s25], [sflag:$0x2], $0x2800, $0x38;
	[tilespmem:$0x16900] =	vst v63  }
0x98: {  	_ =	swait.ge [sflag:s26], $0x2800  }
0x99: {  	[sflag:s26] =	ssyncset.done $0x0  }
0x9a: {  	[sflag:s26] =	ssyncadd.s32 $0xFFFFD800  }
0x9b: {  	[tilespmem:s25], [sflag:$0x2] =	stream.linear.gather [spmem:s11], $0x2800, $0x38;
	[tilespmem:$0x16900] =	vst v63  }
0x9c: {  	_ =	swait.ge [sflag:s26], $0x2800  }
0x9d: {  	[sflag:s26] =	ssyncset.done $0x0  }
0x9e: {  	[sflag:s26] =	ssyncadd.s32 $0xFFFFD800  }
0x9f: {  	[hbm4b:s19+s4] =	stream.linear.scatter [tilespmem:s25], [sflag:$0x2], $0x2800, $0x38;
	[tilespmem:$0x16900] =	vst v63  }
0xa0: {  	_ =	swait.ge [sflag:s26], $0x2800  }
0xa1: {  	[sflag:s26] =	ssyncset.done $0x0  }
0xa2: {  	[sflag:s26] =	ssyncadd.s32 $0xFFFFD800  }
0xa3: {  	[tilespmem:s25], [sflag:$0x2] =	stream.linear.gather [spmem:s12], $0x2800, $0x38;
	[tilespmem:$0x16900] =	vst v63  }
0xa4: {  	_ =	swait.ge [sflag:s26], $0x2800  }
0xa5: {  	[sflag:s26] =	ssyncset.done $0x0  }
0xa6: {  	[sflag:s26] =	ssyncadd.s32 $0xFFFFD800  }
0xa7: {  	[hbm4b:s20+s4] =	stream.linear.scatter [tilespmem:s25], [sflag:$0x2], $0x2800, $0x38;
	[tilespmem:$0x16900] =	vst v63  }
0xa8: {  	_ =	swait.ge [sflag:s26], $0x2800  }
0xa9: {  	[sflag:s26] =	ssyncset.done $0x0  }
0xaa: {  	[sflag:s26] =	ssyncadd.s32 $0xFFFFD800  }
0xab: {  	[tilespmem:s25], [sflag:$0x2] =	stream.linear.gather [spmem:s13], $0x2800, $0x38;
	[tilespmem:$0x16900] =	vst v63  }
0xac: {  	s31 =	sadd.s32 $0x1, s31;
	_ =	swait.ge [sflag:s26], $0x2800  }
0xad: {  	p0 =	sne.s32 s31, s22;
	[sflag:s26] =	ssyncset.done $0x0  }
.Ltmp1:
0xae: {  	[sflag:s26] =	ssyncadd.s32 $0xFFFFD800;
	(pc) =	sbr.rel @p0 .LBB2_1-.Ltmp1, $4  }
0xaf: {  	[hbm4b:s21+s4] =	stream.linear.scatter [tilespmem:s25], [sflag:$0x2], $0x2800, $0x38;
	[tilespmem:$0x16900] =	vst v63  }
0xb0: {  	_ =	swait.ge [sflag:s26], $0x2800  }
0xb1: {  	[sflag:s26] =	ssyncset.done $0x0  }
0xb2: {  	[sflag:s26] =	ssyncadd.s32 $0xFFFFD800  }
0xb3: {  	_ =	sfence.sel $0x180000  }
0xb4: {  	[bflag:$0x0] =	sbarrier.arrive $0xFFFF  }
0xb5: {  	_ =	strace $0x9000004A  }
0xb6: {  	s0 =	stileid.u32;
	[bflag:$0x2] =	sbarrier.arrive $0xFFFF  }
0xb7: {  	p0 =	sne.s32 s0, $0x0;
	s0 =	rddreg [dreg:$0x3]  }
0xb8: {  	s0 =	sadd.s32 @!p0 $0x100000, s0  }
0xb9: {  	[sflag:s0] =	ssyncadd.tile.s32 @!p0 $0x1;
	_ =	shalt  }
.Lfunc_end2:
_tile_overlayer_lowered:
.L_overlay_start_2:
0xba: {  	(tag) =	ssettag $0x2  }
0xbb: {  	s0 =	rddreg [dreg:$0x0];
	s2 =	stileid.u32  }
0xbc: {  	s1 =	rddreg [dreg:$0x1];
	p0 =	sne.s32 s2, $0x0  }
0xbd: {  	s3 =	rddreg [dreg:$0x2];
	[bflag:$0x3] =	sbarrier.arrive $0xFFFF;
	s2 =	simm.s32 @!p0 $0x1C02  }
0xbe: {  	[timem:s3], [sflag:s2] =	dma.local @!p0 [hbm:s0], s1  }
0xbf: {  	s0 =	simm.s32 @!p0 $0x2  }
0xc0: {  	_ =	swait.ge @!p0 [sflag:s0], s1  }
0xc1: {  	s1 =	ssub.s32 @!p0 $0x0, s1;
	[sflag:s0] =	ssyncset.done @!p0 $0x0  }
0xc2: {  	[sflag:s0] =	ssyncadd.s32 @!p0 s1  }
0xc3: {  	[bflag:$0x3] =	sbarrier.arrive $0xFFFF  }
0xc4: {  	_ =	shalt  }

// kernel: sc_seg_sum_deg.3.cloned.1.call-start
scs
__scs_entry_jumppad:
0x0: {  	(pc) =	sbr.rel $0x88, $3  }
0x1: {  	(tag) =	ssettag $0x0;
	lr =	simm.s32 $0x1  }
0x2: {  	[smem:$0x3F99] =	sst lr;
	_ =	strace $0xD0000000  }
0x3: {  	_ = 	snop  }
0x4: {  	_ = 	snop  }
0x5: {  	_ = 	snop  }
0x6: {  	_ = 	snop  }
0x7: {  	_ = 	snop  }
__scs_overlays_trampoline_lowered:
0x8: {  	[smem:$0x3FA8] =	sst s0  }
0x9: {  	[smem:$0x3FA9] =	sst s1  }
0xa: {  	[smem:$0x3FAA] =	sst s2  }
0xb: {  	[smem:$0x3FAB] =	sst s3  }
0xc: {  	[smem:$0x3FAC] =	sst s4  }
0xd: {  	[smem:$0x3FAD] =	sst s5  }
0xe: {  	[smem:$0x3FAE] =	sst s6  }
0xf: {  	[smem:$0x3FAF] =	sst s7  }
0x10: {  	[smem:$0x3FB0] =	sst s8  }
0x11: {  	[smem:$0x3FB1] =	sst s9;
	s0 =	simm.s32 @!p0 $0x0  }
0x12: {  	s1 =	sld [smem:$0x3F97];
	s0 =	simm.s32 @p0 $0x1  }
0x13: {  	[smem:$0x3FB2] =	sst s0;
	s0 =	simm.s32 @!p1 $0x0  }
0x14: {  	s2 =	sld [smem:$0x3F96];
	s0 =	simm.s32 @p1 $0x1  }
0x15: {  	[smem:$0x3FB3] =	sst s0;
	s0 =	simm.s32 @!p2 $0x0  }
0x16: {  	s3 =	sld [smem:$0x3FDB];
	s0 =	simm.s32 @p2 $0x1  }
0x17: {  	s4 =	simm.s32 $0x1BF5;
	[smem:$0x3FB5] =	sst s0  }
0x18: {  	s0 =	sld [smem:$0x3F98];
	_ =	swait.ge [sflag:s4], $0x0  }
0x19: {  	s7 =	sld [smem:$0x3F99]  }
0x1a: {  	s8 =	sadd.s32 $0xFFFFE003, lr  }
0x1b: {  	s9 =	sadd.s32 $0xFFFFFEF7, lr;
	s5 =	simm.s32 $0xFFFFFFFF;
	p2 =	slt.u32 s8, $0xFFFFF086  }
0x1c: {  	p1 =	slt.u32 s9, $0xF7A;
	s5 =	simm.s32 @!p2 $0x0  }
0x1d: {  	s5 =	simm.s32 @p1 $0x1;
	p0 =	seq.s32 s7, s2  }
0x1e: {  	s7 =	smul.u32 @!p0 $0xF7A, s2;
	p2 =	seq.s32 @!p0 s5, $0x0  }
0x1f: {  	s9 =	smul.u32 $0xF7A, s1;
	s8 =	simm.s32 @!p0 $0x1BF5;
	p2 =	por !p2, p0  }
0x20: {  	[sflag:s8] =	ssyncset.s32 @!p0 $0xFFFFF086;
	s6 =	sadd.s32 @!p0 s3, s7;
	s7 =	simm.s32 @!p0 $0x108  }
0x21: {  	s3 =	sadd.s32 s3, s9;
	s6 =	sadd.s32 @!p0 $0x88, s6;
	s7 =	simm.s32 @p2 $0x1082  }
0x22: {  	[simem:s7], [sflag:s8] =	dma.local @!p0 [hbm:s6], $0xF7A  }
0x23: {  	s9 =	sor.u32 $0xD0000000, s2;
	s6 =	simm.s32 $0x108;
	_ =	swait.ge @!p0 [sflag:s8], $0x0  }
0x24: {  	s3 =	sadd.s32 $0x88, s3;
	s6 =	simm.s32 @!p1 $0x1082;
	[sflag:s4] =	ssyncset.s32 $0xFFFFF086  }
0x25: {  	[simem:s6], [sflag:s4] =	dma.local [hbm:s3], $0xF7A  }
0x26: {  	[smem:$0x3F99] =	sst s1;
	(tag) =	ssettag s2;
	_ =	strace s9  }
0x27: {  	s1 =	sld [smem:$0x3FA9]  }
0x28: {  	s2 =	sld [smem:$0x3FAA]  }
0x29: {  	s4 =	sld [smem:$0x3FAC]  }
0x2a: {  	p0 =	seq.s32 s5, $0x0;
	s5 =	sld [smem:$0x3FAD]  }
0x2b: {  	s6 =	sld [smem:$0x3FAE]  }
0x2c: {  	s7 =	sld [smem:$0x3FAF]  }
0x2d: {  	s3 =	simm.s32 $0x108;
	s8 =	sld [smem:$0x3FB0]  }
0x2e: {  	s3 =	simm.s32 @!p0 $0x1082;
	s9 =	sld [smem:$0x3FB1]  }
0x2f: {  	lr =	sadd.s32 s0, s3;
	s0 =	sld [smem:$0x3FA8]  }
0x30: {  	s3 =	sld [smem:$0x3FAB]  }
0x31: {  	[smem:$0x3FB4] =	sst s10  }
0x32: {  	s10 =	sld [smem:$0x3FB2];
	_ =	sdelay $0x3  }
0x33: {  	p0 =	seq.s32 s10, $0x1;
	s10 =	sld [smem:$0x3FB4];
	_ =	sdelay $0x3  }
0x34: {  	[smem:$0x3FB4] =	sst s10  }
0x35: {  	s10 =	sld [smem:$0x3FB3];
	_ =	sdelay $0x3  }
0x36: {  	p1 =	seq.s32 s10, $0x1;
	s10 =	sld [smem:$0x3FB4];
	_ =	sdelay $0x3  }
0x37: {  	[smem:$0x3FB4] =	sst s10  }
0x38: {  	s10 =	sld [smem:$0x3FB5]  }
0x39: {  	_ = 	snop;
	(pc) =	sbr.ind lr, $3  }
0x3a: {  	_ = 	snop  }
0x3b: {  	_ = 	snop  }
0x3c: {  	p2 =	seq.s32 s10, $0x1;
	s10 =	sld [smem:$0x3FB4]  }
0x3d: {  	_ =	shalt  }
0x3e: {  	_ =	shalt  }
0x3f: {  	_ =	shalt  }
0x40: {  	_ =	shalt  }
0x41: {  	_ =	shalt  }
0x42: {  	_ =	shalt  }
0x43: {  	_ =	shalt  }
0x44: {  	_ =	shalt  }
0x45: {  	_ =	shalt  }
0x46: {  	_ =	shalt  }
0x47: {  	_ =	shalt  }
0x48: {  	_ =	shalt  }
0x49: {  	_ =	shalt  }
0x4a: {  	_ =	shalt  }
0x4b: {  	_ =	shalt  }
0x4c: {  	_ =	shalt  }
0x4d: {  	_ =	shalt  }
0x4e: {  	_ =	shalt  }
0x4f: {  	_ =	shalt  }
0x50: {  	_ =	shalt  }
0x51: {  	_ =	shalt  }
0x52: {  	_ =	shalt  }
0x53: {  	_ =	shalt  }
0x54: {  	_ =	shalt  }
0x55: {  	_ =	shalt  }
0x56: {  	_ =	shalt  }
0x57: {  	_ =	shalt  }
0x58: {  	_ =	shalt  }
0x59: {  	_ =	shalt  }
0x5a: {  	_ =	shalt  }
0x5b: {  	_ =	shalt  }
0x5c: {  	_ =	shalt  }
0x5d: {  	_ =	shalt  }
0x5e: {  	_ =	shalt  }
0x5f: {  	_ =	shalt  }
0x60: {  	_ =	shalt  }
0x61: {  	_ =	shalt  }
0x62: {  	_ =	shalt  }
0x63: {  	_ =	shalt  }
0x64: {  	_ =	shalt  }
0x65: {  	_ =	shalt  }
0x66: {  	_ =	shalt  }
0x67: {  	_ =	shalt  }
0x68: {  	_ =	shalt  }
0x69: {  	_ =	shalt  }
0x6a: {  	_ =	shalt  }
0x6b: {  	_ =	shalt  }
0x6c: {  	_ =	shalt  }
0x6d: {  	_ =	shalt  }
0x6e: {  	_ =	shalt  }
0x6f: {  	_ =	shalt  }
0x70: {  	_ =	shalt  }
0x71: {  	_ =	shalt  }
0x72: {  	_ =	shalt  }
0x73: {  	_ =	shalt  }
0x74: {  	_ =	shalt  }
0x75: {  	_ =	shalt  }
0x76: {  	_ =	shalt  }
0x77: {  	_ =	shalt  }
0x78: {  	_ =	shalt  }
0x79: {  	_ =	shalt  }
0x7a: {  	_ =	shalt  }
0x7b: {  	_ =	shalt  }
0x7c: {  	_ =	shalt  }
0x7d: {  	_ =	shalt  }
0x7e: {  	_ =	shalt  }
0x7f: {  	_ =	shalt  }
0x80: {  	_ =	shalt  }
0x81: {  	_ =	shalt  }
0x82: {  	_ =	shalt  }
0x83: {  	_ =	shalt  }
0x84: {  	_ =	shalt  }
0x85: {  	_ =	shalt  }
0x86: {  	_ =	shalt  }
0x87: {  	_ =	shalt  }
.Lfunc_end0:
.L_simem_size_0:
called_computation_lowered:
.L_overlay_start_0:
0x88: {  	s2 =	sld [smem:$0x3FD9]  }
0x89: {  	s3 =	sld [smem:$0x3FFE];
	_ =	sdelay $0x1  }
0x8a: {  	s1 =	srdreg.scid  }
0x8b: {  	s0 =	sand.u32 $0x1, s1  }
0x8c: {  	s14 =	sshll.u32 s0, $0xA;
	s2 =	sadd.s32 s3, s2  }
0x8d: {  	s2 =	sadd.s32 s2, s14  }
0x8e: {  	[smem:$0x3FC0] =	sst s2  }
0x8f: {  	_ = 	snop  }
0x90: {  	s2 =	sld [smem:$0x3FD0];
	_ =	sdelay $0x2  }
0x91: {  	s4 =	simm.s32 $0xA;
	s5 =	simm.s32 $0x10;
	s15 =	sld [smem:$0x3FC9]  }
0x92: {  	[smem:s5], [sflag:s4] =	dma.local [hbm:s2], $0x1  }
0x93: {  	_ =	swait.eq [sflag:s4], $0x1  }
0x94: {  	[sflag:s4] =	ssyncset.done $0x0  }
0x95: {  	s16 =	sld [smem:$0x10];
	[sflag:s4] =	ssyncadd.s32 $0xFFFFFFFF  }
0x96: {  	s17 =	sld [smem:$0x11];
	(tm) =	ssettm $0x1  }
0x97: {  	s18 =	sld [smem:$0x3FFB];
	_ =	sdelay $0x3  }
0x98: {  	_ =	strace s18  }
0x99: {  	s5 =	sld [smem:$0x3FFC];
	_ =	sdelay $0x3  }
0x9a: {  	_ =	strace s5  }
0x9b: {  	s5 =	sld [smem:$0x3FFD];
	_ =	sdelay $0x3  }
0x9c: {  	_ =	strace s5  }
0x9d: {  	_ =	strace $0x8FFFFFFF  }
0x9e: {  	s19 =	sld [smem:$0x3FDB];
	_ =	sdelay $0x1  }
0x9f: {  	s6 =	simm.s32 $_scs_section_size  }
0xa0: {  	s7 =	simm.s32 $_size__tile_overlayer_lowered;
	s8 =	simm.s32 $_tile_overlayer_lowered  }
0xa1: {  	s22 =	simm.s32 $0x1BFF;
	s21 =	sshll.u32 s8, $0x1;
	s5 =	sadd.s32 s6, s19  }
0xa2: {  	s9 =	simm.s32 $0x0;
	s20 =	sshll.u32 s7, $0x1;
	s7 =	sadd.s32 s21, s5  }
0xa3: {  	[timem:s9], [sflag:s22] =	dma.local [hbm:s7], s20  }
0xa4: {  	_ =	swait.ge [sflag:s22], s20  }
0xa5: {  	s6 =	ssub.s32 $0x0, s20;
	[sflag:s22] =	ssyncset.done $0x0  }
0xa6: {  	[sflag:s22] =	ssyncadd.s32 s6;
	_ =	sdelay $0x1  }
0xa7: {  	s23 =	simm.s32 $0x1B8B  }
0xa8: {  	_ =	swait.ge [sflag:s23], $0x1  }
0xa9: {  	[sflag:s23] =	ssyncset.done $0x0  }
0xaa: {  	s25 =	simm.s32 $0x1B8E;
	s24 =	sld [smem:$0x3FFE];
	[sflag:s23] =	ssyncadd.s32 $0xFFFFFFFF  }
0xab: {  	s26 =	simm.s32 $execute0_lowered;
	[smem:$0x3FD2] =	sst s25  }
0xac: {  	s7 =	sshll.u32 s26, $0x1;
	_ =	strace $0x80000046;
	[dreg:$0x1] =	wrdreg $0xFFFFFFFF  }
0xad: {  	s28 =	simm.s32 $_size_execute0_lowered;
	s5 =	sadd.s32 s5, s7;
	[dreg:$0x0] =	wrdreg $0x0  }
0xae: {  	s7 =	sshll.u32 s28, $0x1;
	[dreg:$0x2] =	wrdreg s5  }
0xaf: {  	[dreg:$0x3] =	wrdreg s7  }
0xb0: {  	[dreg:$0x4] =	wrdreg $0xC0  }
0xb1: {  	_ =	task [dreg:s9], $0x5FFFF  }
0xb2: {  	[dreg:$0x1] =	wrdreg $0xFFFFFFFF  }
0xb3: {  	[dreg:$0x0] =	wrdreg $0x60  }
0xb4: {  	[dreg:$0x2] =	wrdreg s24  }
0xb5: {  	[dreg:$0x3] =	wrdreg s15  }
0xb6: {  	[dreg:$0x4] =	wrdreg s17  }
0xb7: {  	[dreg:$0x5] =	wrdreg s16  }
0xb8: {  	[dreg:$0x6] =	wrdreg $0x51000  }
0xb9: {  	[dreg:$0x7] =	wrdreg $0x9  }
0xba: {  	_ =	task.clear_ibuf [dreg:s9], $0x8FFFF;
	_ =	strace $0x90000046  }
0xbb: {  	s29 =	simm.s32 $0x9;
	_ =	strace $0x80000048  }
0xbc: {  	_ =	swait.ge [sflag:s29], $0x1  }
0xbd: {  	[sflag:s29] =	ssyncadd.s32 $0xFFFFFFFF  }
0xbe: {  	_ =	strace $0x90000048  }
0xbf: {  	_ =	sfence  }
0xc0: {  	s30 =	sld [smem:$0x0];
	_ =	sdelay $0x2  }
0xc1: {  	s31 =	sshll.u32 s1, $0xD;
	s1 =	sshrl.u32 s1, $0x2  }
0xc2: {  	s3 =	sand.u32 $0x4000, s31;
	s1 =	sadd.s32 s1, s30  }
0xc3: {  	s0 =	sor.u32 s3, s0;
	s1 =	sshll.u32 s1, $0x11  }
0xc4: {  	s0 =	sor.u32 s1, s0  }
0xc5: {  	s0 =	sadd.s32 $0x8F2B, s0  }
0xc6: {  	[sflag:s0] =	ssyncadd.remote.s32 $0x1  }
0xc7: {  	_ =	sfence.sel $0xFFFF  }
0xc8: {  	[dreg:$0x0] =	wrdreg $0xFFFFFFFF;
	(pc) =	sbr.abs _section_cstart, $3  }
0xc9: {  	[dreg:$0x1] =	wrdreg $0xFFFFFFFF  }
0xca: {  	_ =	task.clear_ibuf [dreg:s9], $0x2FFFF;
	_ =	strace $0x9FFFFFFF  }
0xcb: {  	(tm) =	ssettm $0x7FFFFFFF  }
tec
execute0_lowered:
.L_overlay_start_1:
0x0: {  	(tag) =	ssettag $0x1  }
0x1: {  	s1 =	rddreg [dreg:$0x0]  }
0x2: {  	s0 =	rddreg [dreg:$0x1]  }
0x3: {  	s2 =	srdreg.scid;
	s3 =	rddreg [dreg:$0x3]  }
0x4: {  	s15 =	stileid.u32;
	s4 =	rddreg [dreg:$0x4]  }
0x5: {  	s28 =	simm.s32 $0x100;
	s29 =	simm.s32 $0x2;
	s30 =	simm.s32 $0x2900  }
0x6: {  	s31 =	simm.s32 $0x80;
	s2 =	sand.u32 $0x1, s2;
	s6 =	smul.u32 $0x2710, s15  }
0x7: {  	s8 =	smul.u32 $0x14000, s15;
	s13 =	sadd.s32 $0x15A00, s1;
	s7 =	ssub.s32 $0x2, s2  }
0x8: {  	s9 =	sshrl.u32 s15, $0x3;
	s5 =	smul.u32 $0x27100, s2;
	s10 =	sshrl.u32 s7, $0x1  }
0x9: {  	s17 =	sor.u32 $0x2800, s8;
	s18 =	sadd.s32 $0x5000, s8;
	s19 =	sadd.s32 $0x7800, s8  }
0xa: {  	s20 =	sadd.s32 $0xA000, s8;
	s21 =	sadd.s32 $0xC800, s8;
	s22 =	sadd.s32 $0xF000, s8  }
0xb: {  	s23 =	sadd.s32 $0x11800, s8;
	s24 =	ssub.s32 s7, s10;
	s10 =	smul.u32 $0x140000, s2  }
0xc: {  	s5 =	sadd.s32 s6, s5;
	s2 =	smul.u32 $0x28000, s2;
	s24 =	smax.u32 s24, $0x1  }
0xd: {  	s11 =	sadd.s32 s8, s10;
	s12 =	sadd.s32 s10, s17;
	s14 =	sadd.s32 s10, s18  }
0xe: {  	s25 =	sadd.s32 s10, s19;
	s17 =	sadd.s32 s17, s4;
	s18 =	sadd.s32 s18, s4  }
0xf: {  	s19 =	sadd.s32 s19, s4;
	s6 =	sshrl.u32 s11, $0x3;
	s7 =	sshrl.u32 s12, $0x3  }
0x10: {  	s8 =	sshrl.u32 s14, $0x3;
	s11 =	sadd.s32 s10, s20;
	s12 =	smul.u32 $0x14000, s9  }
0x11: {  	s14 =	sadd.s32 s10, s21;
	s20 =	sadd.s32 s20, s4;
	s21 =	sadd.s32 s21, s4  }
0x12: {  	s6 =	sadd.s32 s13, s6;
	s16 =	sadd.s32 s13, s7;
	s7 =	sadd.s32 s13, s8  }
0x13: {  	s8 =	sshrl.u32 s25, $0x3;
	s26 =	sshrl.u32 s11, $0x3;
	[dreg:$0x6] =	wrdreg s6  }
0x14: {  	s25 =	sshrl.u32 s5, $0x3;
	[dreg:$0x7] =	wrdreg s16;
	s8 =	sadd.s32 s13, s8  }
0x15: {  	s6 =	sshll.u32 s15, $0x7;
	s9 =	sadd.s32 s13, s26;
	s2 =	sadd.s32 s2, s12  }
0x16: {  	s16 =	sadd.s32 s10, s22;
	s12 =	sshrl.u32 s14, $0x3;
	s14 =	sadd.s32 s10, s23  }
0x17: {  	s15 =	smul.u32 $0x50000, s15;
	s22 =	sadd.s32 s22, s4;
	s23 =	sadd.s32 s23, s4  }
0x18: {  	s11 =	sand.u32 $0x380, s6;
	s10 =	sadd.s32 s13, s12;
	s14 =	sshrl.u32 s14, $0x3  }
0x19: {  	s12 =	simm.s32 $0x0;
	s2 =	sor.u32 s11, s2;
	s11 =	sshrl.u32 s16, $0x3  }
0x1a: {  	[smem:$0x7FF] =	sst s12;
	s26 =	sshrl.u32 s15, $0x2;
	s15 =	sadd.s32 $0x15400, s1  }
0x1b: {  	s11 =	sadd.s32 s13, s11;
	s2 =	sshrl.u32 s2, $0x3;
	s13 =	sadd.s32 s13, s14  }
0x1c: {  	_ =	strace $0x80000047;
	s16 =	sadd.s32 s26, s4;
	s14 =	sadd.s32 s3, s2  }
0x1d: {  	s2 =	sadd.s32 s25, s1;
	s3 =	simm.s32 $0x50;
	s1 =	simm.s32 $0x1  }
0x1e: {  	v0 =	vimm.f32 $1.000000000e+00;
	s25 =	sadd.s32 $0x1800, s2;
	s26 =	sadd.s32 $0xB600, s2;
	s2 =	simm.s32 $0x0  }
.LBB2_1:
0x1f: {  	[tilespmem:s28], [sflag:$0x2] =	stream.linear.gather [hbm4b:s15+s12], $0x2800, $0x38;
	[tilespmem:$0x19100] =	vst v63  }
0x20: {  	_ =	swait.ge [sflag:s29], $0x2800  }
0x21: {  	[sflag:s29] =	ssyncset.done $0x0  }
0x22: {  	[sflag:s29] =	ssyncadd.s32 $0xFFFFD800  }
0x23: {  	s5 =	rddreg [dreg:$0x2]  }
0x24: {  	[tilespmem:s30], [sflag:$0x2] =	stream.linear.gather [hbm4b:s5+s12], $0x2800, $0x38;
	[tilespmem:$0x19100] =	vst v63  }
0x25: {  	_ =	swait.ge [sflag:s29], $0x2800  }
0x26: {  	[sflag:s29] =	ssyncset.done $0x0  }
0x27: {  	[sflag:s29] =	ssyncadd.s32 $0xFFFFD800  }
0x28: {  	[spmem:s16] =	stream.linear.scatter [tilespmem:s28], [sflag:$0x2], $0x2800, $0x38;
	[tilespmem:$0x19100] =	vst v63  }
0x29: {  	_ =	swait.ge [sflag:s29], $0x2800  }
0x2a: {  	[sflag:s29] =	ssyncset.done $0x0  }
0x2b: {  	[sflag:s29] =	ssyncadd.s32 $0xFFFFD800  }
0x2c: {  	[spmem:s17] =	stream.linear.scatter [tilespmem:s28], [sflag:$0x2], $0x2800, $0x38;
	[tilespmem:$0x19100] =	vst v63  }
0x2d: {  	_ =	swait.ge [sflag:s29], $0x2800  }
0x2e: {  	[sflag:s29] =	ssyncset.done $0x0  }
0x2f: {  	[sflag:s29] =	ssyncadd.s32 $0xFFFFD800  }
0x30: {  	[spmem:s18] =	stream.linear.scatter [tilespmem:s28], [sflag:$0x2], $0x2800, $0x38;
	[tilespmem:$0x19100] =	vst v63  }
0x31: {  	_ =	swait.ge [sflag:s29], $0x2800  }
0x32: {  	[sflag:s29] =	ssyncset.done $0x0  }
0x33: {  	[sflag:s29] =	ssyncadd.s32 $0xFFFFD800  }
0x34: {  	[spmem:s19] =	stream.linear.scatter [tilespmem:s28], [sflag:$0x2], $0x2800, $0x38;
	[tilespmem:$0x19100] =	vst v63  }
0x35: {  	_ =	swait.ge [sflag:s29], $0x2800  }
0x36: {  	[sflag:s29] =	ssyncset.done $0x0  }
0x37: {  	[sflag:s29] =	ssyncadd.s32 $0xFFFFD800  }
0x38: {  	[spmem:s20] =	stream.linear.scatter [tilespmem:s28], [sflag:$0x2], $0x2800, $0x38;
	[tilespmem:$0x19100] =	vst v63  }
0x39: {  	_ =	swait.ge [sflag:s29], $0x2800  }
0x3a: {  	[sflag:s29] =	ssyncset.done $0x0  }
0x3b: {  	[sflag:s29] =	ssyncadd.s32 $0xFFFFD800  }
0x3c: {  	[spmem:s21] =	stream.linear.scatter [tilespmem:s28], [sflag:$0x2], $0x2800, $0x38;
	[tilespmem:$0x19100] =	vst v63  }
0x3d: {  	_ =	swait.ge [sflag:s29], $0x2800  }
0x3e: {  	[sflag:s29] =	ssyncset.done $0x0  }
0x3f: {  	[sflag:s29] =	ssyncadd.s32 $0xFFFFD800  }
0x40: {  	[spmem:s22] =	stream.linear.scatter [tilespmem:s28], [sflag:$0x2], $0x2800, $0x38;
	[tilespmem:$0x19100] =	vst v63  }
0x41: {  	_ =	swait.ge [sflag:s29], $0x2800  }
0x42: {  	[sflag:s29] =	ssyncset.done $0x0  }
0x43: {  	[sflag:s29] =	ssyncadd.s32 $0xFFFFD800  }
0x44: {  	[spmem:s23] =	stream.linear.scatter [tilespmem:s28], [sflag:$0x2], $0x2800, $0x38;
	[tilespmem:$0x19100] =	vst v63  }
0x45: {  	_ =	swait.ge [sflag:s29], $0x2800  }
0x46: {  	[sflag:s29] =	ssyncset.done $0x0  }
0x47: {  	[sflag:s29] =	ssyncadd.s32 $0xFFFFD800  }
0x48: {  	s5 =	simm.s32 $0x0;
	[bflag:$0x0] =	sbarrier.arrive $0xFFFF  }
.LBB2_2:
0x49: {  	s6 =	sadd.s32 s5, s26  }
0x4a: {  	[tilespmem:s12], [sflag:$0x2] =	stream.linear.gather [hbm4b:s6+s12], $0x50, $0x38;
	[tilespmem:$0x19100] =	vst v63  }
0x4b: {  	_ =	swait.ge [sflag:s29], $0x50  }
0x4c: {  	[sflag:s29] =	ssyncset.done $0x0  }
0x4d: {  	s6 =	sadd.s32 s5, s25;
	[sflag:s29] =	ssyncadd.s32 $0xFFFFFFB0  }
0x4e: {  	[tilespmem:s31], [sflag:$0x2] =	stream.linear.gather [hbm4b:s6+s12], $0x50, $0x38;
	[tilespmem:$0x19100] =	vst v63  }
0x4f: {  	_ =	swait.ge [sflag:s29], $0x50  }
0x50: {  	[sflag:s29] =	ssyncset.done $0x0  }
0x51: {  	[sflag:s29] =	ssyncadd.s32 $0xFFFFFFB0  }
0x52: {  	[tilespmem:s28], [sflag:$0x1] =	stream.indirect.gather [hbm4b:s0+s3], $0x80, s12, s3, $0xb8;
	[tilespmem:$0x19100] =	vst v63  }
0x53: {  	_ =	swait.ge [sflag:s1], $0x2800  }
0x54: {  	[sflag:s1] =	ssyncset.done $0x0  }
0x55: {  	[sflag:s1] =	ssyncadd.s32 $0xFFFFD800  }
0x56: {  	[spmem:s4] =	stream.indirect.scatter.add.f32 [tilespmem:s28], [sflag:$0x2], $0x80, s31, s3, $0xb8;
	[tilespmem:$0x19100] =	vst v63  }
0x57: {  	_ =	swait.ge [sflag:s29], $0x2800  }
0x58: {  	[sflag:s29] =	ssyncset.done $0x0  }
0x59: {  	[sflag:s29] =	ssyncadd.s32 $0xFFFFD800  }
0x5a: {  	v1 =	vld [tilespmem:$0x80];
	_ =	sdelay $0x7  }
0x5b: {  	[tilespmem:v1+s30+$0x0] =	vst.idx.add.f32.msk $0xffff, v0  }
0x5c: {  	v1 =	vld [tilespmem:$0x90];
	_ =	sdelay $0x7  }
0x5d: {  	[tilespmem:v1+s30+$0x0] =	vst.idx.add.f32.msk $0xffff, v0  }
0x5e: {  	v1 =	vld [tilespmem:$0xA0];
	_ =	sdelay $0x7  }
0x5f: {  	[tilespmem:v1+s30+$0x0] =	vst.idx.add.f32.msk $0xffff, v0  }
0x60: {  	v1 =	vld [tilespmem:$0xB0];
	_ =	sdelay $0x7  }
0x61: {  	[tilespmem:v1+s30+$0x0] =	vst.idx.add.f32.msk $0xffff, v0  }
0x62: {  	v1 =	vld [tilespmem:$0xC0];
	_ =	sdelay $0x2  }
0x63: {  	p0 =	sne.s32 s5, $0x4D8  }
.Ltmp0:
0x64: {  	_ = 	snop;
	(pc) =	sbr.rel @p0 .LBB2_2-.Ltmp0, $2  }
0x65: {  	_ =	sdelay $0x2  }
0x66: {  	s5 =	sadd.s32 $0xA, s5;
	[tilespmem:v1+s30+$0x0] =	vst.idx.add.f32.msk $0xffff, v0  }
0x67: {  	[bflag:$0x0] =	sbarrier.arrive $0xFFFF  }
0x68: {  	[tilespmem:s28], [sflag:$0x2] =	stream.linear.gather [spmem:s16], $0x2800, $0x38;
	[tilespmem:$0x19100] =	vst v63  }
0x69: {  	_ =	swait.ge [sflag:s29], $0x2800  }
0x6a: {  	[sflag:s29] =	ssyncset.done $0x0  }
0x6b: {  	s5 =	rddreg [dreg:$0x6];
	[sflag:s29] =	ssyncadd.s32 $0xFFFFD800  }
0x6c: {  	[hbm4b:s5+s12] =	stream.linear.scatter [tilespmem:s28], [sflag:$0x2], $0x2800, $0x38;
	[tilespmem:$0x19100] =	vst v63  }
0x6d: {  	_ =	swait.ge [sflag:s29], $0x2800  }
0x6e: {  	[sflag:s29] =	ssyncset.done $0x0  }
0x6f: {  	[sflag:s29] =	ssyncadd.s32 $0xFFFFD800  }
0x70: {  	[tilespmem:s28], [sflag:$0x2] =	stream.linear.gather [spmem:s17], $0x2800, $0x38;
	[tilespmem:$0x19100] =	vst v63  }
0x71: {  	_ =	swait.ge [sflag:s29], $0x2800  }
0x72: {  	[sflag:s29] =	ssyncset.done $0x0  }
0x73: {  	s6 =	rddreg [dreg:$0x7];
	[sflag:s29] =	ssyncadd.s32 $0xFFFFD800  }
0x74: {  	[hbm4b:s6+s12] =	stream.linear.scatter [tilespmem:s28], [sflag:$0x2], $0x2800, $0x38;
	[tilespmem:$0x19100] =	vst v63  }
0x75: {  	_ =	swait.ge [sflag:s29], $0x2800  }
0x76: {  	[sflag:s29] =	ssyncset.done $0x0  }
0x77: {  	[sflag:s29] =	ssyncadd.s32 $0xFFFFD800  }
0x78: {  	[tilespmem:s28], [sflag:$0x2] =	stream.linear.gather [spmem:s18], $0x2800, $0x38;
	[tilespmem:$0x19100] =	vst v63  }
0x79: {  	_ =	swait.ge [sflag:s29], $0x2800  }
0x7a: {  	[sflag:s29] =	ssyncset.done $0x0  }
0x7b: {  	[sflag:s29] =	ssyncadd.s32 $0xFFFFD800  }
0x7c: {  	[hbm4b:s7+s12] =	stream.linear.scatter [tilespmem:s28], [sflag:$0x2], $0x2800, $0x38;
	[tilespmem:$0x19100] =	vst v63  }
0x7d: {  	_ =	swait.ge [sflag:s29], $0x2800  }
0x7e: {  	[sflag:s29] =	ssyncset.done $0x0  }
0x7f: {  	[sflag:s29] =	ssyncadd.s32 $0xFFFFD800  }
0x80: {  	[tilespmem:s28], [sflag:$0x2] =	stream.linear.gather [spmem:s19], $0x2800, $0x38;
	[tilespmem:$0x19100] =	vst v63  }
0x81: {  	_ =	swait.ge [sflag:s29], $0x2800  }
0x82: {  	[sflag:s29] =	ssyncset.done $0x0  }
0x83: {  	[sflag:s29] =	ssyncadd.s32 $0xFFFFD800  }
0x84: {  	[hbm4b:s8+s12] =	stream.linear.scatter [tilespmem:s28], [sflag:$0x2], $0x2800, $0x38;
	[tilespmem:$0x19100] =	vst v63  }
0x85: {  	_ =	swait.ge [sflag:s29], $0x2800  }
0x86: {  	[sflag:s29] =	ssyncset.done $0x0  }
0x87: {  	[sflag:s29] =	ssyncadd.s32 $0xFFFFD800  }
0x88: {  	[tilespmem:s28], [sflag:$0x2] =	stream.linear.gather [spmem:s20], $0x2800, $0x38;
	[tilespmem:$0x19100] =	vst v63  }
0x89: {  	_ =	swait.ge [sflag:s29], $0x2800  }
0x8a: {  	[sflag:s29] =	ssyncset.done $0x0  }
0x8b: {  	[sflag:s29] =	ssyncadd.s32 $0xFFFFD800  }
0x8c: {  	[hbm4b:s9+s12] =	stream.linear.scatter [tilespmem:s28], [sflag:$0x2], $0x2800, $0x38;
	[tilespmem:$0x19100] =	vst v63  }
0x8d: {  	_ =	swait.ge [sflag:s29], $0x2800  }
0x8e: {  	[sflag:s29] =	ssyncset.done $0x0  }
0x8f: {  	[sflag:s29] =	ssyncadd.s32 $0xFFFFD800  }
0x90: {  	[tilespmem:s28], [sflag:$0x2] =	stream.linear.gather [spmem:s21], $0x2800, $0x38;
	[tilespmem:$0x19100] =	vst v63  }
0x91: {  	_ =	swait.ge [sflag:s29], $0x2800  }
0x92: {  	[sflag:s29] =	ssyncset.done $0x0  }
0x93: {  	[sflag:s29] =	ssyncadd.s32 $0xFFFFD800  }
0x94: {  	[hbm4b:s10+s12] =	stream.linear.scatter [tilespmem:s28], [sflag:$0x2], $0x2800, $0x38;
	[tilespmem:$0x19100] =	vst v63  }
0x95: {  	_ =	swait.ge [sflag:s29], $0x2800  }
0x96: {  	[sflag:s29] =	ssyncset.done $0x0  }
0x97: {  	[sflag:s29] =	ssyncadd.s32 $0xFFFFD800  }
0x98: {  	[tilespmem:s28], [sflag:$0x2] =	stream.linear.gather [spmem:s22], $0x2800, $0x38;
	[tilespmem:$0x19100] =	vst v63  }
0x99: {  	_ =	swait.ge [sflag:s29], $0x2800  }
0x9a: {  	[sflag:s29] =	ssyncset.done $0x0  }
0x9b: {  	[sflag:s29] =	ssyncadd.s32 $0xFFFFD800  }
0x9c: {  	[hbm4b:s11+s12] =	stream.linear.scatter [tilespmem:s28], [sflag:$0x2], $0x2800, $0x38;
	[tilespmem:$0x19100] =	vst v63  }
0x9d: {  	_ =	swait.ge [sflag:s29], $0x2800  }
0x9e: {  	[sflag:s29] =	ssyncset.done $0x0  }
0x9f: {  	[sflag:s29] =	ssyncadd.s32 $0xFFFFD800  }
0xa0: {  	[tilespmem:s28], [sflag:$0x2] =	stream.linear.gather [spmem:s23], $0x2800, $0x38;
	[tilespmem:$0x19100] =	vst v63  }
0xa1: {  	_ =	swait.ge [sflag:s29], $0x2800  }
0xa2: {  	[sflag:s29] =	ssyncset.done $0x0  }
0xa3: {  	[sflag:s29] =	ssyncadd.s32 $0xFFFFD800  }
0xa4: {  	[hbm4b:s13+s12] =	stream.linear.scatter [tilespmem:s28], [sflag:$0x2], $0x2800, $0x38;
	[tilespmem:$0x19100] =	vst v63  }
0xa5: {  	s2 =	sadd.s32 $0x1, s2;
	_ =	swait.ge [sflag:s29], $0x2800  }
0xa6: {  	p0 =	sne.s32 s2, s24;
	[sflag:s29] =	ssyncset.done $0x0  }
.Ltmp1:
0xa7: {  	s6 =	simm.s32 $0x400;
	[sflag:s29] =	ssyncadd.s32 $0xFFFFD800;
	(pc) =	sbr.rel @p0 .LBB2_1-.Ltmp1, $4  }
0xa8: {  	[hbm4b:s14+s31] =	stream.strided.scatter [tilespmem:s30], [sflag:$0x2], $0x2800, s6, s31, $0x38;
	[tilespmem:$0x19100] =	vst v63  }
0xa9: {  	_ =	swait.ge [sflag:s29], $0x2800  }
0xaa: {  	[sflag:s29] =	ssyncset.done $0x0  }
0xab: {  	[sflag:s29] =	ssyncadd.s32 $0xFFFFD800  }
0xac: {  	_ =	sfence.sel $0x180000  }
0xad: {  	[bflag:$0x0] =	sbarrier.arrive $0xFFFF  }
0xae: {  	_ =	strace $0x90000047  }
0xaf: {  	s0 =	stileid.u32;
	[bflag:$0x2] =	sbarrier.arrive $0xFFFF  }
0xb0: {  	p0 =	sne.s32 s0, $0x0;
	s0 =	rddreg [dreg:$0x5]  }
0xb1: {  	s0 =	sadd.s32 @!p0 $0x100000, s0  }
0xb2: {  	[sflag:s0] =	ssyncadd.tile.s32 @!p0 $0x1;
	_ =	shalt  }
.Lfunc_end2:
_tile_overlayer_lowered:
.L_overlay_start_2:
0xb3: {  	(tag) =	ssettag $0x2  }
0xb4: {  	s0 =	rddreg [dreg:$0x0];
	s2 =	stileid.u32  }
0xb5: {  	s1 =	rddreg [dreg:$0x1];
	p0 =	sne.s32 s2, $0x0  }
0xb6: {  	s3 =	rddreg [dreg:$0x2];
	[bflag:$0x3] =	sbarrier.arrive $0xFFFF;
	s2 =	simm.s32 @!p0 $0x1C02  }
0xb7: {  	[timem:s3], [sflag:s2] =	dma.local @!p0 [hbm:s0], s1  }
0xb8: {  	s0 =	simm.s32 @!p0 $0x2  }
0xb9: {  	_ =	swait.ge @!p0 [sflag:s0], s1  }
0xba: {  	s1 =	ssub.s32 @!p0 $0x0, s1;
	[sflag:s0] =	ssyncset.done @!p0 $0x0  }
0xbb: {  	[sflag:s0] =	ssyncadd.s32 @!p0 s1  }
0xbc: {  	[bflag:$0x3] =	sbarrier.arrive $0xFFFF  }
0xbd: {  	_ =	shalt  }

</sc_bundles>
